<compile_context>
chip_gen: v7x
topology: tpu7x:2x2x1
jax: 0.10.2.dev20260603
libtpu: 0.0.44.dev20260713+nightly
codegen_flags: <defaults>
</compile_context>

<pallas_src>
import functools

import jax
import jax.numpy as jnp
from jax import lax
from jax.experimental import pallas as pl
from jax.experimental.pallas import tpu as pltpu
from jax.experimental.pallas import tpu_sc as plsc

PATCH = 16
LANES = 16
CHUNK_ROWS = 128


@functools.lru_cache(maxsize=None)
def _build_sc_call(N, H, W, K):
    WC = W // PATCH
    rows_per_img = H * WC
    KR = K * PATCH
    n_chunks = (KR + CHUNK_ROWS - 1) // CHUNK_ROWS
    tail_rows = KR - (n_chunks - 1) * CHUNK_ROWS
    n_groups = (n_chunks * CHUNK_ROWS + 255) // 256
    idx_rows = 2 * n_groups
    pi_pad = n_groups * LANES

    info = plsc.get_sparse_core_info()
    n_workers = info.num_cores * info.num_subcores
    batches_per_w = (N + n_workers - 1) // n_workers

    mesh = plsc.VectorSubcoreMesh(core_axis_name="c", subcore_axis_name="s")

    @functools.partial(
        pl.kernel,
        mesh=mesh,
        compiler_params=pltpu.CompilerParams(use_tc_tiling_on_sc=False),
        out_type=jax.ShapeDtypeStruct((N * KR, LANES), jnp.float32),
        scratch_types=[
            pltpu.VMEM((pi_pad,), jnp.int32),
            pltpu.VMEM((idx_rows, 128), jnp.int32),
            pltpu.VMEM((CHUNK_ROWS, LANES), jnp.float32),
            pltpu.VMEM((CHUNK_ROWS, LANES), jnp.float32),
            pltpu.SemaphoreType.DMA,
            pltpu.SemaphoreType.DMA,
        ],
    )
    def sc_kernel(tab_hbm, pidx_hbm, out_hbm, pi_v, idxbuf, buf0, buf1, sem0, sem1):
        wid = lax.axis_index("s") * info.num_cores + lax.axis_index("c")
        ii = lax.iota(jnp.int32, LANES)

        for g in range(K // LANES, n_groups):
            pi_v[pl.ds(g * LANES, LANES)] = jnp.zeros((LANES,), jnp.int32)
        pltpu.sync_copy(pidx_hbm, pi_v.at[pl.ds(0, K)])

        b0 = wid * batches_per_w
        boff0 = b0 * rows_per_img

        iiwc = ii * WC

        def build_group(g, carry):
            pi = pi_v[pl.ds(g * LANES, LANES)]
            base = (pi >> 5) * (PATCH * WC) + (pi & (WC - 1)) + boff0
            for j in range(LANES):
                bj = base.at[jnp.full((LANES,), j, jnp.int32)].get(
                    mode="promise_in_bounds")
                m = g * LANES + j
                idxbuf[m >> 3, pl.ds((m & 7) * PATCH, PATCH)] = bj + iiwc
            return carry

        lax.fori_loop(0, n_groups, build_group, 0)

        def shift_row(r, carry):
            for l in range(128 // LANES):
                sl = (r, pl.ds(l * LANES, LANES))
                idxbuf[sl] = idxbuf[sl] + rows_per_img
            return carry

        def chunk_pair(obase):
            def body(t, carry):
                c0 = t * 2
                c1 = c0 + 1
                cp0 = pltpu.async_copy(tab_hbm.at[idxbuf.at[c0]], buf0, sem0)
                cp1 = pltpu.async_copy(tab_hbm.at[idxbuf.at[c1]], buf1, sem1)
                cp0.wait()
                pltpu.sync_copy(
                    buf0, out_hbm.at[pl.ds(obase + c0 * CHUNK_ROWS, CHUNK_ROWS)]
                )
                cp1.wait()
                pltpu.sync_copy(
                    buf1, out_hbm.at[pl.ds(obase + c1 * CHUNK_ROWS, CHUNK_ROWS)]
                )
                return carry
            return body

        n_pairs = (n_chunks - 1) // 2
        for j in range(batches_per_w):
            if j > 0:
                lax.fori_loop(0, idx_rows, shift_row, 0)
            obase = (b0 + j) * KR
            lax.fori_loop(0, n_pairs, chunk_pair(obase), 0)
            for c in range(2 * n_pairs, n_chunks):
                nrows = tail_rows if c == n_chunks - 1 else CHUNK_ROWS
                cp = pltpu.async_copy(tab_hbm.at[idxbuf.at[c]], buf0, sem0)
                cp.wait()
                pltpu.sync_copy(
                    buf0.at[pl.ds(0, nrows)],
                    out_hbm.at[pl.ds(obase + c * CHUNK_ROWS, nrows)],
                )

    return sc_kernel


def kernel(images, patch_indices):
    N, H, W = images.shape
    K = patch_indices.shape[0]
    tab = images.reshape(N * H * (W // PATCH), PATCH)
    sc = _build_sc_call(N, H, W, K)
    out = sc(tab, patch_indices.astype(jnp.int32))
    return out.reshape(N, K, PATCH * PATCH)

# --- scband reference (transcript-rebuilt; emitter-appended) ---
"""Pipeline reference for scband-masked-patchify-80702435492261 (READ-ONLY COPY).

The authoritative reference and input builder live on the scoring server;
editing this copy changes nothing except your own understanding.
"""

import math
import jax, jax.numpy as jnp
import numpy as np

N, H, W, PATCH = 64, 512, 512, 16

def _infer_padding(height, width, multiple=8):
    new_h = multiple * math.ceil(height / multiple)
    new_w = multiple * math.ceil(width / multiple)
    padding = [new_h - height, new_w - width]
    padding = [p for pad in reversed(padding) for p in [pad // 2, pad - pad // 2]]
    return padding  # [left, right, top, bottom]

def _build_patch_indices():
    # mask is constructed at patch granularity so ~50% of patches are kept,
    # then expanded to pixel level; faithful to MaskedPatchify.__init__ logic.
    rng = np.random.default_rng(0)
    ph, pw = math.ceil(H / PATCH), math.ceil(W / PATCH)
    patch_keep = rng.random((ph, pw)) < 0.5
    mask = np.kron(patch_keep, np.ones((PATCH, PATCH), dtype=bool))[:H, :W]
    left, right, top, bottom = _infer_padding(H, W, PATCH)
    mpad = np.pad(mask, ((top, bottom), (left, right)))
    hh, ww = mpad.shape
    h, w = hh // PATCH, ww // PATCH
    pm = mpad.reshape(h, PATCH, w, PATCH).transpose(0, 2, 1, 3).reshape(h * w, PATCH * PATCH)
    idx = np.where(pm.any(axis=1))[0].astype(np.int32)
    return idx

def setup_inputs(seed: int = 0):
    key = jax.random.key(seed)
    images = jax.random.normal(key, (N, H, W), dtype=jnp.float32)
    patch_indices = jnp.asarray(_build_patch_indices())
    return {"images": images, "patch_indices": patch_indices}

def reference(images, patch_indices):
    # pad (no-op here since 512 % 16 == 0, but kept for faithfulness)
    left, right, top, bottom = _infer_padding(H, W, PATCH)
    x = jnp.pad(images, ((0, 0), (top, bottom), (left, right)))
    n, hh, ww = x.shape
    h, w = hh // PATCH, ww // PATCH
    # Rearrange 'b (h p1) (w p2) -> b (h w) (p1 p2)'
    patches = x.reshape(n, h, PATCH, w, PATCH).transpose(0, 1, 3, 2, 4).reshape(n, h * w, PATCH * PATCH)
    # gather masked patches
    patches = jnp.take(patches, patch_indices, axis=1)
    return patches

if __name__ == "__main__":
    import jax
    _d = setup_inputs()
    print(jax.jit(kernel)(*tuple(_d.values())))

</pallas_src>

<mosaic_0001>
#map = affine_map<(d0, d1) -> (0, 0)>
#map1 = affine_map<(d0, d1) -> (0)>
module attributes {stable_mosaic.version = 14 : i64} {
  func.func @sc_kernel(%arg0: i32, %arg1: i32, %arg2: memref<1048576x16xf32, #tpu.memory_space<hbm>>, %arg3: memref<487xi32, #tpu.memory_space<hbm>>, %arg4: memref<498688x16xf32, #tpu.memory_space<hbm>>, %arg5: memref<496xi32, #tpu.memory_space<vmem>>, %arg6: memref<62x128xi32, #tpu.memory_space<vmem>>, %arg7: memref<128x16xf32, #tpu.memory_space<vmem>>, %arg8: memref<128x16xf32, #tpu.memory_space<vmem>>, %arg9: memref<!tpu.dma_semaphore, #tpu.memory_space<semaphore_mem>>, %arg10: memref<!tpu.dma_semaphore, #tpu.memory_space<semaphore_mem>>) attributes {dimension_semantics = [#tpu.dimension_semantics<core_parallel>, #tpu.dimension_semantics<subcore_parallel>], iteration_bounds = array<i64: 2, 16>, scalar_prefetch = 0 : i64, scratch_operands = 6 : i64, tpu.core_type = #tpu.core_type<sc_vector_subcore>, window_params = [{transform_indices = #map}, {transform_indices = #map1}, {transform_indices = #map}]} {
    %mul3A = arith.constant 2 : i32
    %mul3A_0 = arith.muli %arg1, %mul3A : i32
    %add3A = arith.addi %mul3A_0, %arg0 : i32
    %iota3A = tpu.iota {dimensions = array<i32: 0>} : vector<16xi32>
    %broadcast_in_dim3A = arith.constant 0 : i32
    %broadcast_in_dim3A_1 = vector.broadcast %broadcast_in_dim3A : i32 to vector<16xi32>
    %swap3A = arith.constant 480 : index
    %swap3A_2 = tpu.vector_load %arg5[%swap3A] {strides = array<i32>} : memref<496xi32, #tpu.memory_space<vmem>>, vector<16xi32>,
    %swap3A_3 = vector.shape_cast %swap3A_2 : vector<16xi32> to vector<16xi32>
    %swap3A_4 = vector.shape_cast %broadcast_in_dim3A_1 : vector<16xi32> to vector<16xi32>
    tpu.vector_store %arg5[%swap3A], %swap3A_4 {strides = array<i32>} : memref<496xi32, #tpu.memory_space<vmem>>, vector<16xi32>,
    "tpu.region"() ({
      %run_scoped3A = tpu.sem_alloc : memref<!tpu.dma_semaphore, #tpu.memory_space<semaphore_mem>>
      %dma_start3A_73 = arith.constant 0 : i32
      %dma_start3A_74 = tpu.memref_slice %arg5[%dma_start3A_73] : memref<496xi32, #tpu.memory_space<vmem>> -> memref<487xi32, #tpu.memory_space<vmem>>
      %dma_start3A_75 = arith.constant 0 : i32
      %dma_start3A_76 = tpu.memref_slice %arg5[%dma_start3A_75] : memref<496xi32, #tpu.memory_space<vmem>> -> memref<487xi32, #tpu.memory_space<vmem>>
      tpu.enqueue_dma source(%arg3 : memref<487xi32, #tpu.memory_space<hbm>>) target(%dma_start3A_76 : memref<487xi32, #tpu.memory_space<vmem>>) target_semaphore(%run_scoped3A : memref<!tpu.dma_semaphore, #tpu.memory_space<semaphore_mem>>)
      %dma_wait3A_77 = arith.constant 0 : i32
      %dma_wait3A_78 = tpu.memref_slice %arg5[%dma_wait3A_77] : memref<496xi32, #tpu.memory_space<vmem>> -> memref<487xi32, #tpu.memory_space<vmem>>
      %dma_wait3A_79 = arith.constant 0 : i32
      %dma_wait3A_80 = tpu.memref_slice %arg5[%dma_wait3A_79] : memref<496xi32, #tpu.memory_space<vmem>> -> memref<487xi32, #tpu.memory_space<vmem>>
      tpu.wait_dma2 semaphore(%run_scoped3A : memref<!tpu.dma_semaphore, #tpu.memory_space<semaphore_mem>>) src(%arg3 : memref<487xi32, #tpu.memory_space<hbm>>) dst(%dma_wait3A_80 : memref<487xi32, #tpu.memory_space<vmem>>)
      tpu.yield
    }) : () -> ()
    %mul3A_5 = arith.constant 2 : i32
    %mul3A_6 = arith.muli %add3A, %mul3A_5 : i32
    %mul3A_7 = arith.constant 16384 : i32
    %mul3A_8 = arith.muli %mul3A_6, %mul3A_7 : i32
    %mul3A_9 = arith.constant 32 : i32
    %mul3A_10 = vector.broadcast %mul3A_9 : i32 to vector<16xi32>
    %mul3A_11 = arith.muli %iota3A, %mul3A_10 : vector<16xi32>
    %scan3A = arith.constant 0 : i32
    %scan3A_12 = arith.constant 0 : i32
    %scan3A_13 = arith.constant 31 : i32
    %scan3A_14 = arith.addi %scan3A_12, %scan3A_13 : i32
    %scan3A_15 = arith.constant 1 : i32
    scf.for %scan3A_73 = %scan3A_12 to %scan3A_14 step %scan3A_15  : i32 {
      %mul3A_74 = arith.constant 16 : i32
      %mul3A_75 = arith.muli %scan3A_73, %mul3A_74 : i32
      %get3A = arith.index_cast %mul3A_75 : i32 to index
      %get3A_76 = tpu.vector_load %arg5[%get3A] {strides = array<i32>} : memref<496xi32, #tpu.memory_space<vmem>>, vector<16xi32>,
      %get3A_77 = vector.shape_cast %get3A_76 : vector<16xi32> to vector<16xi32>
      %shift_right_arithmetic3A = arith.constant 5 : i32
      %shift_right_arithmetic3A_78 = vector.broadcast %shift_right_arithmetic3A : i32 to vector<16xi32>
      %shift_right_arithmetic3A_79 = arith.shrsi %get3A_77, %shift_right_arithmetic3A_78 : vector<16xi32>
      %mul3A_80 = arith.constant 512 : i32
      %mul3A_81 = vector.broadcast %mul3A_80 : i32 to vector<16xi32>
      %mul3A_82 = arith.muli %shift_right_arithmetic3A_79, %mul3A_81 : vector<16xi32>
      %and3A = arith.constant 31 : i32
      %and3A_83 = vector.broadcast %and3A : i32 to vector<16xi32>
      %and3A_84 = arith.andi %get3A_77, %and3A_83 : vector<16xi32>
      %add3A_85 = arith.addi %mul3A_82, %and3A_84 : vector<16xi32>
      %add3A_86 = vector.broadcast %mul3A_8 : i32 to vector<16xi32>
      %add3A_87 = arith.addi %add3A_85, %add3A_86 : vector<16xi32>
      %broadcast_in_dim3A_88 = arith.constant 0 : i32
      %broadcast_in_dim3A_89 = vector.broadcast %broadcast_in_dim3A_88 : i32 to vector<16xi32>
      %lt3A = arith.constant 0 : i32
      %lt3A_90 = vector.broadcast %lt3A : i32 to vector<16xi32>
      %lt3A_91 = arith.cmpi slt, %broadcast_in_dim3A_89, %lt3A_90 : vector<16xi32>
      %add3A_92 = arith.constant 16 : i32
      %add3A_93 = vector.broadcast %add3A_92 : i32 to vector<16xi32>
      %add3A_94 = arith.addi %broadcast_in_dim3A_89, %add3A_93 : vector<16xi32>
      %select_n3A = arith.select %lt3A_91, %add3A_94, %broadcast_in_dim3A_89 : vector<16xi1>, vector<16xi32>
      %broadcast_in_dim3A_95 = vector.shape_cast %select_n3A : vector<16xi32> to vector<16x1xi32>
      %gather3A = vector.shape_cast %broadcast_in_dim3A_95 : vector<16x1xi32> to vector<16xi32>
      %gather3A_96 = tpu.dynamic_gather %add3A_87[%gather3A] in [0] : vector<16xi32>, vector<16xi32> -> vector<16xi32>
      %mul3A_97 = arith.constant 16 : i32
      %mul3A_98 = arith.muli %scan3A_73, %mul3A_97 : i32
      %add3A_99 = arith.constant 0 : i32
      %add3A_100 = arith.addi %mul3A_98, %add3A_99 : i32
      %add3A_101 = arith.addi %gather3A_96, %mul3A_11 : vector<16xi32>
      %shift_right_arithmetic3A_102 = arith.constant 3 : i32
      %shift_right_arithmetic3A_103 = arith.shrsi %add3A_100, %shift_right_arithmetic3A_102 : i32
      %and3A_104 = arith.constant 7 : i32
      %and3A_105 = arith.andi %add3A_100, %and3A_104 : i32
      %mul3A_106 = arith.constant 16 : i32
      %mul3A_107 = arith.muli %and3A_105, %mul3A_106 : i32
      %swap3A_108 = arith.index_cast %shift_right_arithmetic3A_103 : i32 to index
      %swap3A_109 = arith.index_cast %mul3A_107 : i32 to index
      %swap3A_110 = tpu.vector_load %arg6[%swap3A_108, %swap3A_109] {strides = array<i32>} : memref<62x128xi32, #tpu.memory_space<vmem>>, vector<1x16xi32>,
      %swap3A_111 = vector.shape_cast %swap3A_110 : vector<1x16xi32> to vector<16xi32>
      %swap3A_112 = vector.shape_cast %add3A_101 : vector<16xi32> to vector<1x16xi32>
      tpu.vector_store %arg6[%swap3A_108, %swap3A_109], %swap3A_112 {strides = array<i32>} : memref<62x128xi32, #tpu.memory_space<vmem>>, vector<1x16xi32>,
      %broadcast_in_dim3A_113 = arith.constant 1 : i32
      %broadcast_in_dim3A_114 = vector.broadcast %broadcast_in_dim3A_113 : i32 to vector<16xi32>
      %lt3A_115 = arith.constant 0 : i32
      %lt3A_116 = vector.broadcast %lt3A_115 : i32 to vector<16xi32>
      %lt3A_117 = arith.cmpi slt, %broadcast_in_dim3A_114, %lt3A_116 : vector<16xi32>
      %add3A_118 = arith.constant 16 : i32
      %add3A_119 = vector.broadcast %add3A_118 : i32 to vector<16xi32>
      %add3A_120 = arith.addi %broadcast_in_dim3A_114, %add3A_119 : vector<16xi32>
      %select_n3A_121 = arith.select %lt3A_117, %add3A_120, %broadcast_in_dim3A_114 : vector<16xi1>, vector<16xi32>
      %broadcast_in_dim3A_122 = vector.shape_cast %select_n3A_121 : vector<16xi32> to vector<16x1xi32>
      %gather3A_123 = vector.shape_cast %broadcast_in_dim3A_122 : vector<16x1xi32> to vector<16xi32>
      %gather3A_124 = tpu.dynamic_gather %add3A_87[%gather3A_123] in [0] : vector<16xi32>, vector<16xi32> -> vector<16xi32>
      %mul3A_125 = arith.constant 16 : i32
      %mul3A_126 = arith.muli %scan3A_73, %mul3A_125 : i32
      %add3A_127 = arith.constant 1 : i32
      %add3A_128 = arith.addi %mul3A_126, %add3A_127 : i32
      %add3A_129 = arith.addi %gather3A_124, %mul3A_11 : vector<16xi32>
      %shift_right_arithmetic3A_130 = arith.constant 3 : i32
      %shift_right_arithmetic3A_131 = arith.shrsi %add3A_128, %shift_right_arithmetic3A_130 : i32
      %and3A_132 = arith.constant 7 : i32
      %and3A_133 = arith.andi %add3A_128, %and3A_132 : i32
      %mul3A_134 = arith.constant 16 : i32
      %mul3A_135 = arith.muli %and3A_133, %mul3A_134 : i32
      %swap3A_136 = arith.index_cast %shift_right_arithmetic3A_131 : i32 to index
      %swap3A_137 = arith.index_cast %mul3A_135 : i32 to index
      %swap3A_138 = tpu.vector_load %arg6[%swap3A_136, %swap3A_137] {strides = array<i32>} : memref<62x128xi32, #tpu.memory_space<vmem>>, vector<1x16xi32>,
      %swap3A_139 = vector.shape_cast %swap3A_138 : vector<1x16xi32> to vector<16xi32>
      %swap3A_140 = vector.shape_cast %add3A_129 : vector<16xi32> to vector<1x16xi32>
      tpu.vector_store %arg6[%swap3A_136, %swap3A_137], %swap3A_140 {strides = array<i32>} : memref<62x128xi32, #tpu.memory_space<vmem>>, vector<1x16xi32>,
      %broadcast_in_dim3A_141 = arith.constant 2 : i32
      %broadcast_in_dim3A_142 = vector.broadcast %broadcast_in_dim3A_141 : i32 to vector<16xi32>
      %lt3A_143 = arith.constant 0 : i32
      %lt3A_144 = vector.broadcast %lt3A_143 : i32 to vector<16xi32>
      %lt3A_145 = arith.cmpi slt, %broadcast_in_dim3A_142, %lt3A_144 : vector<16xi32>
      %add3A_146 = arith.constant 16 : i32
      %add3A_147 = vector.broadcast %add3A_146 : i32 to vector<16xi32>
      %add3A_148 = arith.addi %broadcast_in_dim3A_142, %add3A_147 : vector<16xi32>
      %select_n3A_149 = arith.select %lt3A_145, %add3A_148, %broadcast_in_dim3A_142 : vector<16xi1>, vector<16xi32>
      %broadcast_in_dim3A_150 = vector.shape_cast %select_n3A_149 : vector<16xi32> to vector<16x1xi32>
      %gather3A_151 = vector.shape_cast %broadcast_in_dim3A_150 : vector<16x1xi32> to vector<16xi32>
      %gather3A_152 = tpu.dynamic_gather %add3A_87[%gather3A_151] in [0] : vector<16xi32>, vector<16xi32> -> vector<16xi32>
      %mul3A_153 = arith.constant 16 : i32
      %mul3A_154 = arith.muli %scan3A_73, %mul3A_153 : i32
      %add3A_155 = arith.constant 2 : i32
      %add3A_156 = arith.addi %mul3A_154, %add3A_155 : i32
      %add3A_157 = arith.addi %gather3A_152, %mul3A_11 : vector<16xi32>
      %shift_right_arithmetic3A_158 = arith.constant 3 : i32
      %shift_right_arithmetic3A_159 = arith.shrsi %add3A_156, %shift_right_arithmetic3A_158 : i32
      %and3A_160 = arith.constant 7 : i32
      %and3A_161 = arith.andi %add3A_156, %and3A_160 : i32
      %mul3A_162 = arith.constant 16 : i32
      %mul3A_163 = arith.muli %and3A_161, %mul3A_162 : i32
      %swap3A_164 = arith.index_cast %shift_right_arithmetic3A_159 : i32 to index
      %swap3A_165 = arith.index_cast %mul3A_163 : i32 to index
      %swap3A_166 = tpu.vector_load %arg6[%swap3A_164, %swap3A_165] {strides = array<i32>} : memref<62x128xi32, #tpu.memory_space<vmem>>, vector<1x16xi32>,
      %swap3A_167 = vector.shape_cast %swap3A_166 : vector<1x16xi32> to vector<16xi32>
      %swap3A_168 = vector.shape_cast %add3A_157 : vector<16xi32> to vector<1x16xi32>
      tpu.vector_store %arg6[%swap3A_164, %swap3A_165], %swap3A_168 {strides = array<i32>} : memref<62x128xi32, #tpu.memory_space<vmem>>, vector<1x16xi32>,
      %broadcast_in_dim3A_169 = arith.constant 3 : i32
      %broadcast_in_dim3A_170 = vector.broadcast %broadcast_in_dim3A_169 : i32 to vector<16xi32>
      %lt3A_171 = arith.constant 0 : i32
      %lt3A_172 = vector.broadcast %lt3A_171 : i32 to vector<16xi32>
      %lt3A_173 = arith.cmpi slt, %broadcast_in_dim3A_170, %lt3A_172 : vector<16xi32>
      %add3A_174 = arith.constant 16 : i32
      %add3A_175 = vector.broadcast %add3A_174 : i32 to vector<16xi32>
      %add3A_176 = arith.addi %broadcast_in_dim3A_170, %add3A_175 : vector<16xi32>
      %select_n3A_177 = arith.select %lt3A_173, %add3A_176, %broadcast_in_dim3A_170 : vector<16xi1>, vector<16xi32>
      %broadcast_in_dim3A_178 = vector.shape_cast %select_n3A_177 : vector<16xi32> to vector<16x1xi32>
      %gather3A_179 = vector.shape_cast %broadcast_in_dim3A_178 : vector<16x1xi32> to vector<16xi32>
      %gather3A_180 = tpu.dynamic_gather %add3A_87[%gather3A_179] in [0] : vector<16xi32>, vector<16xi32> -> vector<16xi32>
      %mul3A_181 = arith.constant 16 : i32
      %mul3A_182 = arith.muli %scan3A_73, %mul3A_181 : i32
      %add3A_183 = arith.constant 3 : i32
      %add3A_184 = arith.addi %mul3A_182, %add3A_183 : i32
      %add3A_185 = arith.addi %gather3A_180, %mul3A_11 : vector<16xi32>
      %shift_right_arithmetic3A_186 = arith.constant 3 : i32
      %shift_right_arithmetic3A_187 = arith.shrsi %add3A_184, %shift_right_arithmetic3A_186 : i32
      %and3A_188 = arith.constant 7 : i32
      %and3A_189 = arith.andi %add3A_184, %and3A_188 : i32
      %mul3A_190 = arith.constant 16 : i32
      %mul3A_191 = arith.muli %and3A_189, %mul3A_190 : i32
      %swap3A_192 = arith.index_cast %shift_right_arithmetic3A_187 : i32 to index
      %swap3A_193 = arith.index_cast %mul3A_191 : i32 to index
      %swap3A_194 = tpu.vector_load %arg6[%swap3A_192, %swap3A_193] {strides = array<i32>} : memref<62x128xi32, #tpu.memory_space<vmem>>, vector<1x16xi32>,
      %swap3A_195 = vector.shape_cast %swap3A_194 : vector<1x16xi32> to vector<16xi32>
      %swap3A_196 = vector.shape_cast %add3A_185 : vector<16xi32> to vector<1x16xi32>
      tpu.vector_store %arg6[%swap3A_192, %swap3A_193], %swap3A_196 {strides = array<i32>} : memref<62x128xi32, #tpu.memory_space<vmem>>, vector<1x16xi32>,
      %broadcast_in_dim3A_197 = arith.constant 4 : i32
      %broadcast_in_dim3A_198 = vector.broadcast %broadcast_in_dim3A_197 : i32 to vector<16xi32>
      %lt3A_199 = arith.constant 0 : i32
      %lt3A_200 = vector.broadcast %lt3A_199 : i32 to vector<16xi32>
      %lt3A_201 = arith.cmpi slt, %broadcast_in_dim3A_198, %lt3A_200 : vector<16xi32>
      %add3A_202 = arith.constant 16 : i32
      %add3A_203 = vector.broadcast %add3A_202 : i32 to vector<16xi32>
      %add3A_204 = arith.addi %broadcast_in_dim3A_198, %add3A_203 : vector<16xi32>
      %select_n3A_205 = arith.select %lt3A_201, %add3A_204, %broadcast_in_dim3A_198 : vector<16xi1>, vector<16xi32>
      %broadcast_in_dim3A_206 = vector.shape_cast %select_n3A_205 : vector<16xi32> to vector<16x1xi32>
      %gather3A_207 = vector.shape_cast %broadcast_in_dim3A_206 : vector<16x1xi32> to vector<16xi32>
      %gather3A_208 = tpu.dynamic_gather %add3A_87[%gather3A_207] in [0] : vector<16xi32>, vector<16xi32> -> vector<16xi32>
      %mul3A_209 = arith.constant 16 : i32
      %mul3A_210 = arith.muli %scan3A_73, %mul3A_209 : i32
      %add3A_211 = arith.constant 4 : i32
      %add3A_212 = arith.addi %mul3A_210, %add3A_211 : i32
      %add3A_213 = arith.addi %gather3A_208, %mul3A_11 : vector<16xi32>
      %shift_right_arithmetic3A_214 = arith.constant 3 : i32
      %shift_right_arithmetic3A_215 = arith.shrsi %add3A_212, %shift_right_arithmetic3A_214 : i32
      %and3A_216 = arith.constant 7 : i32
      %and3A_217 = arith.andi %add3A_212, %and3A_216 : i32
      %mul3A_218 = arith.constant 16 : i32
      %mul3A_219 = arith.muli %and3A_217, %mul3A_218 : i32
      %swap3A_220 = arith.index_cast %shift_right_arithmetic3A_215 : i32 to index
      %swap3A_221 = arith.index_cast %mul3A_219 : i32 to index
      %swap3A_222 = tpu.vector_load %arg6[%swap3A_220, %swap3A_221] {strides = array<i32>} : memref<62x128xi32, #tpu.memory_space<vmem>>, vector<1x16xi32>,
      %swap3A_223 = vector.shape_cast %swap3A_222 : vector<1x16xi32> to vector<16xi32>
      %swap3A_224 = vector.shape_cast %add3A_213 : vector<16xi32> to vector<1x16xi32>
      tpu.vector_store %arg6[%swap3A_220, %swap3A_221], %swap3A_224 {strides = array<i32>} : memref<62x128xi32, #tpu.memory_space<vmem>>, vector<1x16xi32>,
      %broadcast_in_dim3A_225 = arith.constant 5 : i32
      %broadcast_in_dim3A_226 = vector.broadcast %broadcast_in_dim3A_225 : i32 to vector<16xi32>
      %lt3A_227 = arith.constant 0 : i32
      %lt3A_228 = vector.broadcast %lt3A_227 : i32 to vector<16xi32>
      %lt3A_229 = arith.cmpi slt, %broadcast_in_dim3A_226, %lt3A_228 : vector<16xi32>
      %add3A_230 = arith.constant 16 : i32
      %add3A_231 = vector.broadcast %add3A_230 : i32 to vector<16xi32>
      %add3A_232 = arith.addi %broadcast_in_dim3A_226, %add3A_231 : vector<16xi32>
      %select_n3A_233 = arith.select %lt3A_229, %add3A_232, %broadcast_in_dim3A_226 : vector<16xi1>, vector<16xi32>
      %broadcast_in_dim3A_234 = vector.shape_cast %select_n3A_233 : vector<16xi32> to vector<16x1xi32>
      %gather3A_235 = vector.shape_cast %broadcast_in_dim3A_234 : vector<16x1xi32> to vector<16xi32>
      %gather3A_236 = tpu.dynamic_gather %add3A_87[%gather3A_235] in [0] : vector<16xi32>, vector<16xi32> -> vector<16xi32>
      %mul3A_237 = arith.constant 16 : i32
      %mul3A_238 = arith.muli %scan3A_73, %mul3A_237 : i32
      %add3A_239 = arith.constant 5 : i32
      %add3A_240 = arith.addi %mul3A_238, %add3A_239 : i32
      %add3A_241 = arith.addi %gather3A_236, %mul3A_11 : vector<16xi32>
      %shift_right_arithmetic3A_242 = arith.constant 3 : i32
      %shift_right_arithmetic3A_243 = arith.shrsi %add3A_240, %shift_right_arithmetic3A_242 : i32
      %and3A_244 = arith.constant 7 : i32
      %and3A_245 = arith.andi %add3A_240, %and3A_244 : i32
      %mul3A_246 = arith.constant 16 : i32
      %mul3A_247 = arith.muli %and3A_245, %mul3A_246 : i32
      %swap3A_248 = arith.index_cast %shift_right_arithmetic3A_243 : i32 to index
      %swap3A_249 = arith.index_cast %mul3A_247 : i32 to index
      %swap3A_250 = tpu.vector_load %arg6[%swap3A_248, %swap3A_249] {strides = array<i32>} : memref<62x128xi32, #tpu.memory_space<vmem>>, vector<1x16xi32>,
      %swap3A_251 = vector.shape_cast %swap3A_250 : vector<1x16xi32> to vector<16xi32>
      %swap3A_252 = vector.shape_cast %add3A_241 : vector<16xi32> to vector<1x16xi32>
      tpu.vector_store %arg6[%swap3A_248, %swap3A_249], %swap3A_252 {strides = array<i32>} : memref<62x128xi32, #tpu.memory_space<vmem>>, vector<1x16xi32>,
      %broadcast_in_dim3A_253 = arith.constant 6 : i32
      %broadcast_in_dim3A_254 = vector.broadcast %broadcast_in_dim3A_253 : i32 to vector<16xi32>
      %lt3A_255 = arith.constant 0 : i32
      %lt3A_256 = vector.broadcast %lt3A_255 : i32 to vector<16xi32>
      %lt3A_257 = arith.cmpi slt, %broadcast_in_dim3A_254, %lt3A_256 : vector<16xi32>
      %add3A_258 = arith.constant 16 : i32
      %add3A_259 = vector.broadcast %add3A_258 : i32 to vector<16xi32>
      %add3A_260 = arith.addi %broadcast_in_dim3A_254, %add3A_259 : vector<16xi32>
      %select_n3A_261 = arith.select %lt3A_257, %add3A_260, %broadcast_in_dim3A_254 : vector<16xi1>, vector<16xi32>
      %broadcast_in_dim3A_262 = vector.shape_cast %select_n3A_261 : vector<16xi32> to vector<16x1xi32>
      %gather3A_263 = vector.shape_cast %broadcast_in_dim3A_262 : vector<16x1xi32> to vector<16xi32>
      %gather3A_264 = tpu.dynamic_gather %add3A_87[%gather3A_263] in [0] : vector<16xi32>, vector<16xi32> -> vector<16xi32>
      %mul3A_265 = arith.constant 16 : i32
      %mul3A_266 = arith.muli %scan3A_73, %mul3A_265 : i32
      %add3A_267 = arith.constant 6 : i32
      %add3A_268 = arith.addi %mul3A_266, %add3A_267 : i32
      %add3A_269 = arith.addi %gather3A_264, %mul3A_11 : vector<16xi32>
      %shift_right_arithmetic3A_270 = arith.constant 3 : i32
      %shift_right_arithmetic3A_271 = arith.shrsi %add3A_268, %shift_right_arithmetic3A_270 : i32
      %and3A_272 = arith.constant 7 : i32
      %and3A_273 = arith.andi %add3A_268, %and3A_272 : i32
      %mul3A_274 = arith.constant 16 : i32
      %mul3A_275 = arith.muli %and3A_273, %mul3A_274 : i32
      %swap3A_276 = arith.index_cast %shift_right_arithmetic3A_271 : i32 to index
      %swap3A_277 = arith.index_cast %mul3A_275 : i32 to index
      %swap3A_278 = tpu.vector_load %arg6[%swap3A_276, %swap3A_277] {strides = array<i32>} : memref<62x128xi32, #tpu.memory_space<vmem>>, vector<1x16xi32>,
      %swap3A_279 = vector.shape_cast %swap3A_278 : vector<1x16xi32> to vector<16xi32>
      %swap3A_280 = vector.shape_cast %add3A_269 : vector<16xi32> to vector<1x16xi32>
      tpu.vector_store %arg6[%swap3A_276, %swap3A_277], %swap3A_280 {strides = array<i32>} : memref<62x128xi32, #tpu.memory_space<vmem>>, vector<1x16xi32>,
      %broadcast_in_dim3A_281 = arith.constant 7 : i32
      %broadcast_in_dim3A_282 = vector.broadcast %broadcast_in_dim3A_281 : i32 to vector<16xi32>
      %lt3A_283 = arith.constant 0 : i32
      %lt3A_284 = vector.broadcast %lt3A_283 : i32 to vector<16xi32>
      %lt3A_285 = arith.cmpi slt, %broadcast_in_dim3A_282, %lt3A_284 : vector<16xi32>
      %add3A_286 = arith.constant 16 : i32
      %add3A_287 = vector.broadcast %add3A_286 : i32 to vector<16xi32>
      %add3A_288 = arith.addi %broadcast_in_dim3A_282, %add3A_287 : vector<16xi32>
      %select_n3A_289 = arith.select %lt3A_285, %add3A_288, %broadcast_in_dim3A_282 : vector<16xi1>, vector<16xi32>
      %broadcast_in_dim3A_290 = vector.shape_cast %select_n3A_289 : vector<16xi32> to vector<16x1xi32>
      %gather3A_291 = vector.shape_cast %broadcast_in_dim3A_290 : vector<16x1xi32> to vector<16xi32>
      %gather3A_292 = tpu.dynamic_gather %add3A_87[%gather3A_291] in [0] : vector<16xi32>, vector<16xi32> -> vector<16xi32>
      %mul3A_293 = arith.constant 16 : i32
      %mul3A_294 = arith.muli %scan3A_73, %mul3A_293 : i32
      %add3A_295 = arith.constant 7 : i32
      %add3A_296 = arith.addi %mul3A_294, %add3A_295 : i32
      %add3A_297 = arith.addi %gather3A_292, %mul3A_11 : vector<16xi32>
      %shift_right_arithmetic3A_298 = arith.constant 3 : i32
      %shift_right_arithmetic3A_299 = arith.shrsi %add3A_296, %shift_right_arithmetic3A_298 : i32
      %and3A_300 = arith.constant 7 : i32
      %and3A_301 = arith.andi %add3A_296, %and3A_300 : i32
      %mul3A_302 = arith.constant 16 : i32
      %mul3A_303 = arith.muli %and3A_301, %mul3A_302 : i32
      %swap3A_304 = arith.index_cast %shift_right_arithmetic3A_299 : i32 to index
      %swap3A_305 = arith.index_cast %mul3A_303 : i32 to index
      %swap3A_306 = tpu.vector_load %arg6[%swap3A_304, %swap3A_305] {strides = array<i32>} : memref<62x128xi32, #tpu.memory_space<vmem>>, vector<1x16xi32>,
      %swap3A_307 = vector.shape_cast %swap3A_306 : vector<1x16xi32> to vector<16xi32>
      %swap3A_308 = vector.shape_cast %add3A_297 : vector<16xi32> to vector<1x16xi32>
      tpu.vector_store %arg6[%swap3A_304, %swap3A_305], %swap3A_308 {strides = array<i32>} : memref<62x128xi32, #tpu.memory_space<vmem>>, vector<1x16xi32>,
      %broadcast_in_dim3A_309 = arith.constant 8 : i32
      %broadcast_in_dim3A_310 = vector.broadcast %broadcast_in_dim3A_309 : i32 to vector<16xi32>
      %lt3A_311 = arith.constant 0 : i32
      %lt3A_312 = vector.broadcast %lt3A_311 : i32 to vector<16xi32>
      %lt3A_313 = arith.cmpi slt, %broadcast_in_dim3A_310, %lt3A_312 : vector<16xi32>
      %add3A_314 = arith.constant 16 : i32
      %add3A_315 = vector.broadcast %add3A_314 : i32 to vector<16xi32>
      %add3A_316 = arith.addi %broadcast_in_dim3A_310, %add3A_315 : vector<16xi32>
      %select_n3A_317 = arith.select %lt3A_313, %add3A_316, %broadcast_in_dim3A_310 : vector<16xi1>, vector<16xi32>
      %broadcast_in_dim3A_318 = vector.shape_cast %select_n3A_317 : vector<16xi32> to vector<16x1xi32>
      %gather3A_319 = vector.shape_cast %broadcast_in_dim3A_318 : vector<16x1xi32> to vector<16xi32>
      %gather3A_320 = tpu.dynamic_gather %add3A_87[%gather3A_319] in [0] : vector<16xi32>, vector<16xi32> -> vector<16xi32>
      %mul3A_321 = arith.constant 16 : i32
      %mul3A_322 = arith.muli %scan3A_73, %mul3A_321 : i32
      %add3A_323 = arith.constant 8 : i32
      %add3A_324 = arith.addi %mul3A_322, %add3A_323 : i32
      %add3A_325 = arith.addi %gather3A_320, %mul3A_11 : vector<16xi32>
      %shift_right_arithmetic3A_326 = arith.constant 3 : i32
      %shift_right_arithmetic3A_327 = arith.shrsi %add3A_324, %shift_right_arithmetic3A_326 : i32
      %and3A_328 = arith.constant 7 : i32
      %and3A_329 = arith.andi %add3A_324, %and3A_328 : i32
      %mul3A_330 = arith.constant 16 : i32
      %mul3A_331 = arith.muli %and3A_329, %mul3A_330 : i32
      %swap3A_332 = arith.index_cast %shift_right_arithmetic3A_327 : i32 to index
      %swap3A_333 = arith.index_cast %mul3A_331 : i32 to index
      %swap3A_334 = tpu.vector_load %arg6[%swap3A_332, %swap3A_333] {strides = array<i32>} : memref<62x128xi32, #tpu.memory_space<vmem>>, vector<1x16xi32>,
      %swap3A_335 = vector.shape_cast %swap3A_334 : vector<1x16xi32> to vector<16xi32>
      %swap3A_336 = vector.shape_cast %add3A_325 : vector<16xi32> to vector<1x16xi32>
      tpu.vector_store %arg6[%swap3A_332, %swap3A_333], %swap3A_336 {strides = array<i32>} : memref<62x128xi32, #tpu.memory_space<vmem>>, vector<1x16xi32>,
      %broadcast_in_dim3A_337 = arith.constant 9 : i32
      %broadcast_in_dim3A_338 = vector.broadcast %broadcast_in_dim3A_337 : i32 to vector<16xi32>
      %lt3A_339 = arith.constant 0 : i32
      %lt3A_340 = vector.broadcast %lt3A_339 : i32 to vector<16xi32>
      %lt3A_341 = arith.cmpi slt, %broadcast_in_dim3A_338, %lt3A_340 : vector<16xi32>
      %add3A_342 = arith.constant 16 : i32
      %add3A_343 = vector.broadcast %add3A_342 : i32 to vector<16xi32>
      %add3A_344 = arith.addi %broadcast_in_dim3A_338, %add3A_343 : vector<16xi32>
      %select_n3A_345 = arith.select %lt3A_341, %add3A_344, %broadcast_in_dim3A_338 : vector<16xi1>, vector<16xi32>
      %broadcast_in_dim3A_346 = vector.shape_cast %select_n3A_345 : vector<16xi32> to vector<16x1xi32>
      %gather3A_347 = vector.shape_cast %broadcast_in_dim3A_346 : vector<16x1xi32> to vector<16xi32>
      %gather3A_348 = tpu.dynamic_gather %add3A_87[%gather3A_347] in [0] : vector<16xi32>, vector<16xi32> -> vector<16xi32>
      %mul3A_349 = arith.constant 16 : i32
      %mul3A_350 = arith.muli %scan3A_73, %mul3A_349 : i32
      %add3A_351 = arith.constant 9 : i32
      %add3A_352 = arith.addi %mul3A_350, %add3A_351 : i32
      %add3A_353 = arith.addi %gather3A_348, %mul3A_11 : vector<16xi32>
      %shift_right_arithmetic3A_354 = arith.constant 3 : i32
      %shift_right_arithmetic3A_355 = arith.shrsi %add3A_352, %shift_right_arithmetic3A_354 : i32
      %and3A_356 = arith.constant 7 : i32
      %and3A_357 = arith.andi %add3A_352, %and3A_356 : i32
      %mul3A_358 = arith.constant 16 : i32
      %mul3A_359 = arith.muli %and3A_357, %mul3A_358 : i32
      %swap3A_360 = arith.index_cast %shift_right_arithmetic3A_355 : i32 to index
      %swap3A_361 = arith.index_cast %mul3A_359 : i32 to index
      %swap3A_362 = tpu.vector_load %arg6[%swap3A_360, %swap3A_361] {strides = array<i32>} : memref<62x128xi32, #tpu.memory_space<vmem>>, vector<1x16xi32>,
      %swap3A_363 = vector.shape_cast %swap3A_362 : vector<1x16xi32> to vector<16xi32>
      %swap3A_364 = vector.shape_cast %add3A_353 : vector<16xi32> to vector<1x16xi32>
      tpu.vector_store %arg6[%swap3A_360, %swap3A_361], %swap3A_364 {strides = array<i32>} : memref<62x128xi32, #tpu.memory_space<vmem>>, vector<1x16xi32>,
      %broadcast_in_dim3A_365 = arith.constant 10 : i32
      %broadcast_in_dim3A_366 = vector.broadcast %broadcast_in_dim3A_365 : i32 to vector<16xi32>
      %lt3A_367 = arith.constant 0 : i32
      %lt3A_368 = vector.broadcast %lt3A_367 : i32 to vector<16xi32>
      %lt3A_369 = arith.cmpi slt, %broadcast_in_dim3A_366, %lt3A_368 : vector<16xi32>
      %add3A_370 = arith.constant 16 : i32
      %add3A_371 = vector.broadcast %add3A_370 : i32 to vector<16xi32>
      %add3A_372 = arith.addi %broadcast_in_dim3A_366, %add3A_371 : vector<16xi32>
      %select_n3A_373 = arith.select %lt3A_369, %add3A_372, %broadcast_in_dim3A_366 : vector<16xi1>, vector<16xi32>
      %broadcast_in_dim3A_374 = vector.shape_cast %select_n3A_373 : vector<16xi32> to vector<16x1xi32>
      %gather3A_375 = vector.shape_cast %broadcast_in_dim3A_374 : vector<16x1xi32> to vector<16xi32>
      %gather3A_376 = tpu.dynamic_gather %add3A_87[%gather3A_375] in [0] : vector<16xi32>, vector<16xi32> -> vector<16xi32>
      %mul3A_377 = arith.constant 16 : i32
      %mul3A_378 = arith.muli %scan3A_73, %mul3A_377 : i32
      %add3A_379 = arith.constant 10 : i32
      %add3A_380 = arith.addi %mul3A_378, %add3A_379 : i32
      %add3A_381 = arith.addi %gather3A_376, %mul3A_11 : vector<16xi32>
      %shift_right_arithmetic3A_382 = arith.constant 3 : i32
      %shift_right_arithmetic3A_383 = arith.shrsi %add3A_380, %shift_right_arithmetic3A_382 : i32
      %and3A_384 = arith.constant 7 : i32
      %and3A_385 = arith.andi %add3A_380, %and3A_384 : i32
      %mul3A_386 = arith.constant 16 : i32
      %mul3A_387 = arith.muli %and3A_385, %mul3A_386 : i32
      %swap3A_388 = arith.index_cast %shift_right_arithmetic3A_383 : i32 to index
      %swap3A_389 = arith.index_cast %mul3A_387 : i32 to index
      %swap3A_390 = tpu.vector_load %arg6[%swap3A_388, %swap3A_389] {strides = array<i32>} : memref<62x128xi32, #tpu.memory_space<vmem>>, vector<1x16xi32>,
      %swap3A_391 = vector.shape_cast %swap3A_390 : vector<1x16xi32> to vector<16xi32>
      %swap3A_392 = vector.shape_cast %add3A_381 : vector<16xi32> to vector<1x16xi32>
      tpu.vector_store %arg6[%swap3A_388, %swap3A_389], %swap3A_392 {strides = array<i32>} : memref<62x128xi32, #tpu.memory_space<vmem>>, vector<1x16xi32>,
      %broadcast_in_dim3A_393 = arith.constant 11 : i32
      %broadcast_in_dim3A_394 = vector.broadcast %broadcast_in_dim3A_393 : i32 to vector<16xi32>
      %lt3A_395 = arith.constant 0 : i32
      %lt3A_396 = vector.broadcast %lt3A_395 : i32 to vector<16xi32>
      %lt3A_397 = arith.cmpi slt, %broadcast_in_dim3A_394, %lt3A_396 : vector<16xi32>
      %add3A_398 = arith.constant 16 : i32
      %add3A_399 = vector.broadcast %add3A_398 : i32 to vector<16xi32>
      %add3A_400 = arith.addi %broadcast_in_dim3A_394, %add3A_399 : vector<16xi32>
      %select_n3A_401 = arith.select %lt3A_397, %add3A_400, %broadcast_in_dim3A_394 : vector<16xi1>, vector<16xi32>
      %broadcast_in_dim3A_402 = vector.shape_cast %select_n3A_401 : vector<16xi32> to vector<16x1xi32>
      %gather3A_403 = vector.shape_cast %broadcast_in_dim3A_402 : vector<16x1xi32> to vector<16xi32>
      %gather3A_404 = tpu.dynamic_gather %add3A_87[%gather3A_403] in [0] : vector<16xi32>, vector<16xi32> -> vector<16xi32>
      %mul3A_405 = arith.constant 16 : i32
      %mul3A_406 = arith.muli %scan3A_73, %mul3A_405 : i32
      %add3A_407 = arith.constant 11 : i32
      %add3A_408 = arith.addi %mul3A_406, %add3A_407 : i32
      %add3A_409 = arith.addi %gather3A_404, %mul3A_11 : vector<16xi32>
      %shift_right_arithmetic3A_410 = arith.constant 3 : i32
      %shift_right_arithmetic3A_411 = arith.shrsi %add3A_408, %shift_right_arithmetic3A_410 : i32
      %and3A_412 = arith.constant 7 : i32
      %and3A_413 = arith.andi %add3A_408, %and3A_412 : i32
      %mul3A_414 = arith.constant 16 : i32
      %mul3A_415 = arith.muli %and3A_413, %mul3A_414 : i32
      %swap3A_416 = arith.index_cast %shift_right_arithmetic3A_411 : i32 to index
      %swap3A_417 = arith.index_cast %mul3A_415 : i32 to index
      %swap3A_418 = tpu.vector_load %arg6[%swap3A_416, %swap3A_417] {strides = array<i32>} : memref<62x128xi32, #tpu.memory_space<vmem>>, vector<1x16xi32>,
      %swap3A_419 = vector.shape_cast %swap3A_418 : vector<1x16xi32> to vector<16xi32>
      %swap3A_420 = vector.shape_cast %add3A_409 : vector<16xi32> to vector<1x16xi32>
      tpu.vector_store %arg6[%swap3A_416, %swap3A_417], %swap3A_420 {strides = array<i32>} : memref<62x128xi32, #tpu.memory_space<vmem>>, vector<1x16xi32>,
      %broadcast_in_dim3A_421 = arith.constant 12 : i32
      %broadcast_in_dim3A_422 = vector.broadcast %broadcast_in_dim3A_421 : i32 to vector<16xi32>
      %lt3A_423 = arith.constant 0 : i32
      %lt3A_424 = vector.broadcast %lt3A_423 : i32 to vector<16xi32>
      %lt3A_425 = arith.cmpi slt, %broadcast_in_dim3A_422, %lt3A_424 : vector<16xi32>
      %add3A_426 = arith.constant 16 : i32
      %add3A_427 = vector.broadcast %add3A_426 : i32 to vector<16xi32>
      %add3A_428 = arith.addi %broadcast_in_dim3A_422, %add3A_427 : vector<16xi32>
      %select_n3A_429 = arith.select %lt3A_425, %add3A_428, %broadcast_in_dim3A_422 : vector<16xi1>, vector<16xi32>
      %broadcast_in_dim3A_430 = vector.shape_cast %select_n3A_429 : vector<16xi32> to vector<16x1xi32>
      %gather3A_431 = vector.shape_cast %broadcast_in_dim3A_430 : vector<16x1xi32> to vector<16xi32>
      %gather3A_432 = tpu.dynamic_gather %add3A_87[%gather3A_431] in [0] : vector<16xi32>, vector<16xi32> -> vector<16xi32>
      %mul3A_433 = arith.constant 16 : i32
      %mul3A_434 = arith.muli %scan3A_73, %mul3A_433 : i32
      %add3A_435 = arith.constant 12 : i32
      %add3A_436 = arith.addi %mul3A_434, %add3A_435 : i32
      %add3A_437 = arith.addi %gather3A_432, %mul3A_11 : vector<16xi32>
      %shift_right_arithmetic3A_438 = arith.constant 3 : i32
      %shift_right_arithmetic3A_439 = arith.shrsi %add3A_436, %shift_right_arithmetic3A_438 : i32
      %and3A_440 = arith.constant 7 : i32
      %and3A_441 = arith.andi %add3A_436, %and3A_440 : i32
      %mul3A_442 = arith.constant 16 : i32
      %mul3A_443 = arith.muli %and3A_441, %mul3A_442 : i32
      %swap3A_444 = arith.index_cast %shift_right_arithmetic3A_439 : i32 to index
      %swap3A_445 = arith.index_cast %mul3A_443 : i32 to index
      %swap3A_446 = tpu.vector_load %arg6[%swap3A_444, %swap3A_445] {strides = array<i32>} : memref<62x128xi32, #tpu.memory_space<vmem>>, vector<1x16xi32>,
      %swap3A_447 = vector.shape_cast %swap3A_446 : vector<1x16xi32> to vector<16xi32>
      %swap3A_448 = vector.shape_cast %add3A_437 : vector<16xi32> to vector<1x16xi32>
      tpu.vector_store %arg6[%swap3A_444, %swap3A_445], %swap3A_448 {strides = array<i32>} : memref<62x128xi32, #tpu.memory_space<vmem>>, vector<1x16xi32>,
      %broadcast_in_dim3A_449 = arith.constant 13 : i32
      %broadcast_in_dim3A_450 = vector.broadcast %broadcast_in_dim3A_449 : i32 to vector<16xi32>
      %lt3A_451 = arith.constant 0 : i32
      %lt3A_452 = vector.broadcast %lt3A_451 : i32 to vector<16xi32>
      %lt3A_453 = arith.cmpi slt, %broadcast_in_dim3A_450, %lt3A_452 : vector<16xi32>
      %add3A_454 = arith.constant 16 : i32
      %add3A_455 = vector.broadcast %add3A_454 : i32 to vector<16xi32>
      %add3A_456 = arith.addi %broadcast_in_dim3A_450, %add3A_455 : vector<16xi32>
      %select_n3A_457 = arith.select %lt3A_453, %add3A_456, %broadcast_in_dim3A_450 : vector<16xi1>, vector<16xi32>
      %broadcast_in_dim3A_458 = vector.shape_cast %select_n3A_457 : vector<16xi32> to vector<16x1xi32>
      %gather3A_459 = vector.shape_cast %broadcast_in_dim3A_458 : vector<16x1xi32> to vector<16xi32>
      %gather3A_460 = tpu.dynamic_gather %add3A_87[%gather3A_459] in [0] : vector<16xi32>, vector<16xi32> -> vector<16xi32>
      %mul3A_461 = arith.constant 16 : i32
      %mul3A_462 = arith.muli %scan3A_73, %mul3A_461 : i32
      %add3A_463 = arith.constant 13 : i32
      %add3A_464 = arith.addi %mul3A_462, %add3A_463 : i32
      %add3A_465 = arith.addi %gather3A_460, %mul3A_11 : vector<16xi32>
      %shift_right_arithmetic3A_466 = arith.constant 3 : i32
      %shift_right_arithmetic3A_467 = arith.shrsi %add3A_464, %shift_right_arithmetic3A_466 : i32
      %and3A_468 = arith.constant 7 : i32
      %and3A_469 = arith.andi %add3A_464, %and3A_468 : i32
      %mul3A_470 = arith.constant 16 : i32
      %mul3A_471 = arith.muli %and3A_469, %mul3A_470 : i32
      %swap3A_472 = arith.index_cast %shift_right_arithmetic3A_467 : i32 to index
      %swap3A_473 = arith.index_cast %mul3A_471 : i32 to index
      %swap3A_474 = tpu.vector_load %arg6[%swap3A_472, %swap3A_473] {strides = array<i32>} : memref<62x128xi32, #tpu.memory_space<vmem>>, vector<1x16xi32>,
      %swap3A_475 = vector.shape_cast %swap3A_474 : vector<1x16xi32> to vector<16xi32>
      %swap3A_476 = vector.shape_cast %add3A_465 : vector<16xi32> to vector<1x16xi32>
      tpu.vector_store %arg6[%swap3A_472, %swap3A_473], %swap3A_476 {strides = array<i32>} : memref<62x128xi32, #tpu.memory_space<vmem>>, vector<1x16xi32>,
      %broadcast_in_dim3A_477 = arith.constant 14 : i32
      %broadcast_in_dim3A_478 = vector.broadcast %broadcast_in_dim3A_477 : i32 to vector<16xi32>
      %lt3A_479 = arith.constant 0 : i32
      %lt3A_480 = vector.broadcast %lt3A_479 : i32 to vector<16xi32>
      %lt3A_481 = arith.cmpi slt, %broadcast_in_dim3A_478, %lt3A_480 : vector<16xi32>
      %add3A_482 = arith.constant 16 : i32
      %add3A_483 = vector.broadcast %add3A_482 : i32 to vector<16xi32>
      %add3A_484 = arith.addi %broadcast_in_dim3A_478, %add3A_483 : vector<16xi32>
      %select_n3A_485 = arith.select %lt3A_481, %add3A_484, %broadcast_in_dim3A_478 : vector<16xi1>, vector<16xi32>
      %broadcast_in_dim3A_486 = vector.shape_cast %select_n3A_485 : vector<16xi32> to vector<16x1xi32>
      %gather3A_487 = vector.shape_cast %broadcast_in_dim3A_486 : vector<16x1xi32> to vector<16xi32>
      %gather3A_488 = tpu.dynamic_gather %add3A_87[%gather3A_487] in [0] : vector<16xi32>, vector<16xi32> -> vector<16xi32>
      %mul3A_489 = arith.constant 16 : i32
      %mul3A_490 = arith.muli %scan3A_73, %mul3A_489 : i32
      %add3A_491 = arith.constant 14 : i32
      %add3A_492 = arith.addi %mul3A_490, %add3A_491 : i32
      %add3A_493 = arith.addi %gather3A_488, %mul3A_11 : vector<16xi32>
      %shift_right_arithmetic3A_494 = arith.constant 3 : i32
      %shift_right_arithmetic3A_495 = arith.shrsi %add3A_492, %shift_right_arithmetic3A_494 : i32
      %and3A_496 = arith.constant 7 : i32
      %and3A_497 = arith.andi %add3A_492, %and3A_496 : i32
      %mul3A_498 = arith.constant 16 : i32
      %mul3A_499 = arith.muli %and3A_497, %mul3A_498 : i32
      %swap3A_500 = arith.index_cast %shift_right_arithmetic3A_495 : i32 to index
      %swap3A_501 = arith.index_cast %mul3A_499 : i32 to index
      %swap3A_502 = tpu.vector_load %arg6[%swap3A_500, %swap3A_501] {strides = array<i32>} : memref<62x128xi32, #tpu.memory_space<vmem>>, vector<1x16xi32>,
      %swap3A_503 = vector.shape_cast %swap3A_502 : vector<1x16xi32> to vector<16xi32>
      %swap3A_504 = vector.shape_cast %add3A_493 : vector<16xi32> to vector<1x16xi32>
      tpu.vector_store %arg6[%swap3A_500, %swap3A_501], %swap3A_504 {strides = array<i32>} : memref<62x128xi32, #tpu.memory_space<vmem>>, vector<1x16xi32>,
      %broadcast_in_dim3A_505 = arith.constant 15 : i32
      %broadcast_in_dim3A_506 = vector.broadcast %broadcast_in_dim3A_505 : i32 to vector<16xi32>
      %lt3A_507 = arith.constant 0 : i32
      %lt3A_508 = vector.broadcast %lt3A_507 : i32 to vector<16xi32>
      %lt3A_509 = arith.cmpi slt, %broadcast_in_dim3A_506, %lt3A_508 : vector<16xi32>
      %add3A_510 = arith.constant 16 : i32
      %add3A_511 = vector.broadcast %add3A_510 : i32 to vector<16xi32>
      %add3A_512 = arith.addi %broadcast_in_dim3A_506, %add3A_511 : vector<16xi32>
      %select_n3A_513 = arith.select %lt3A_509, %add3A_512, %broadcast_in_dim3A_506 : vector<16xi1>, vector<16xi32>
      %broadcast_in_dim3A_514 = vector.shape_cast %select_n3A_513 : vector<16xi32> to vector<16x1xi32>
      %gather3A_515 = vector.shape_cast %broadcast_in_dim3A_514 : vector<16x1xi32> to vector<16xi32>
      %gather3A_516 = tpu.dynamic_gather %add3A_87[%gather3A_515] in [0] : vector<16xi32>, vector<16xi32> -> vector<16xi32>
      %mul3A_517 = arith.constant 16 : i32
      %mul3A_518 = arith.muli %scan3A_73, %mul3A_517 : i32
      %add3A_519 = arith.constant 15 : i32
      %add3A_520 = arith.addi %mul3A_518, %add3A_519 : i32
      %add3A_521 = arith.addi %gather3A_516, %mul3A_11 : vector<16xi32>
      %shift_right_arithmetic3A_522 = arith.constant 3 : i32
      %shift_right_arithmetic3A_523 = arith.shrsi %add3A_520, %shift_right_arithmetic3A_522 : i32
      %and3A_524 = arith.constant 7 : i32
      %and3A_525 = arith.andi %add3A_520, %and3A_524 : i32
      %mul3A_526 = arith.constant 16 : i32
      %mul3A_527 = arith.muli %and3A_525, %mul3A_526 : i32
      %swap3A_528 = arith.index_cast %shift_right_arithmetic3A_523 : i32 to index
      %swap3A_529 = arith.index_cast %mul3A_527 : i32 to index
      %swap3A_530 = tpu.vector_load %arg6[%swap3A_528, %swap3A_529] {strides = array<i32>} : memref<62x128xi32, #tpu.memory_space<vmem>>, vector<1x16xi32>,
      %swap3A_531 = vector.shape_cast %swap3A_530 : vector<1x16xi32> to vector<16xi32>
      %swap3A_532 = vector.shape_cast %add3A_521 : vector<16xi32> to vector<1x16xi32>
      tpu.vector_store %arg6[%swap3A_528, %swap3A_529], %swap3A_532 {strides = array<i32>} : memref<62x128xi32, #tpu.memory_space<vmem>>, vector<1x16xi32>,
    }
    %scan3A_16 = arith.constant 31 : i32
    %add3A_17 = arith.constant 0 : i32
    %add3A_18 = arith.addi %mul3A_6, %add3A_17 : i32
    %mul3A_19 = arith.constant 7792 : i32
    %mul3A_20 = arith.muli %add3A_18, %mul3A_19 : i32
    %scan3A_21 = arith.constant 0 : i32
    %scan3A_22 = arith.constant 0 : i32
    %scan3A_23 = arith.constant 30 : i32
    %scan3A_24 = arith.addi %scan3A_22, %scan3A_23 : i32
    %scan3A_25 = arith.constant 1 : i32
    scf.for %scan3A_73 = %scan3A_22 to %scan3A_24 step %scan3A_25  : i32 {
      %mul3A_74 = arith.constant 2 : i32
      %mul3A_75 = arith.muli %scan3A_73, %mul3A_74 : i32
      %add3A_76 = arith.constant 1 : i32
      %add3A_77 = arith.addi %mul3A_75, %add3A_76 : i32
      %dma_start3A_78 = arith.constant 0 : i32
      %dma_start3A_79 = tpu.memref_slice %arg6[%mul3A_75, %dma_start3A_78] : memref<62x128xi32, #tpu.memory_space<vmem>> -> memref<1x128xi32, #tpu.memory_space<vmem>>
      %dma_start3A_80 = tpu.memref_squeeze %dma_start3A_79 : memref<1x128xi32, #tpu.memory_space<vmem>> -> memref<128xi32, #tpu.memory_space<vmem>>
      %dma_start3A_81 = arith.constant 0 : i32
      %dma_start3A_82 = arith.constant 0 : i32
      %dma_start3A_83 = tpu.memref_slice %arg2[%dma_start3A_81, %dma_start3A_82] : memref<1048576x16xf32, #tpu.memory_space<hbm>> -> memref<1048576x16xf32, #tpu.memory_space<hbm>>
      tpu.enqueue_indirect_dma source(%dma_start3A_83 : memref<1048576x16xf32, #tpu.memory_space<hbm>>) target(%arg7 : memref<128x16xf32, #tpu.memory_space<vmem>>) offsets(%dma_start3A_80 : memref<128xi32, #tpu.memory_space<vmem>>) semaphore(%arg9 : memref<!tpu.dma_semaphore, #tpu.memory_space<semaphore_mem>>)
      %dma_start3A_84 = arith.constant 0 : i32
      %dma_start3A_85 = tpu.memref_slice %arg6[%add3A_77, %dma_start3A_84] : memref<62x128xi32, #tpu.memory_space<vmem>> -> memref<1x128xi32, #tpu.memory_space<vmem>>
      %dma_start3A_86 = tpu.memref_squeeze %dma_start3A_85 : memref<1x128xi32, #tpu.memory_space<vmem>> -> memref<128xi32, #tpu.memory_space<vmem>>
      %dma_start3A_87 = arith.constant 0 : i32
      %dma_start3A_88 = arith.constant 0 : i32
      %dma_start3A_89 = tpu.memref_slice %arg2[%dma_start3A_87, %dma_start3A_88] : memref<1048576x16xf32, #tpu.memory_space<hbm>> -> memref<1048576x16xf32, #tpu.memory_space<hbm>>
      tpu.enqueue_indirect_dma source(%dma_start3A_89 : memref<1048576x16xf32, #tpu.memory_space<hbm>>) target(%arg8 : memref<128x16xf32, #tpu.memory_space<vmem>>) offsets(%dma_start3A_86 : memref<128xi32, #tpu.memory_space<vmem>>) semaphore(%arg10 : memref<!tpu.dma_semaphore, #tpu.memory_space<semaphore_mem>>)
      %dma_wait3A_90 = arith.constant 0 : i32
      %dma_wait3A_91 = tpu.memref_slice %arg6[%mul3A_75, %dma_wait3A_90] : memref<62x128xi32, #tpu.memory_space<vmem>> -> memref<1x128xi32, #tpu.memory_space<vmem>>
      %dma_wait3A_92 = tpu.memref_squeeze %dma_wait3A_91 : memref<1x128xi32, #tpu.memory_space<vmem>> -> memref<128xi32, #tpu.memory_space<vmem>>
      %dma_wait3A_93 = arith.constant 0 : i32
      %dma_wait3A_94 = arith.constant 0 : i32
      %dma_wait3A_95 = tpu.memref_slice %arg2[%dma_wait3A_93, %dma_wait3A_94] : memref<1048576x16xf32, #tpu.memory_space<hbm>> -> memref<1048576x16xf32, #tpu.memory_space<hbm>>
      tpu.wait_indirect_dma semaphore(%arg9 : memref<!tpu.dma_semaphore, #tpu.memory_space<semaphore_mem>>) src(%dma_wait3A_95 : memref<1048576x16xf32, #tpu.memory_space<hbm>>) dst(%arg7 : memref<128x16xf32, #tpu.memory_space<vmem>>)
      %mul3A_96 = arith.constant 128 : i32
      %mul3A_97 = arith.muli %mul3A_75, %mul3A_96 : i32
      %add3A_98 = arith.addi %mul3A_20, %mul3A_97 : i32
      "tpu.region"() ({
        %run_scoped3A = tpu.sem_alloc : memref<!tpu.dma_semaphore, #tpu.memory_space<semaphore_mem>>
        %dma_start3A_108 = arith.constant 0 : i32
        %dma_start3A_109 = tpu.memref_slice %arg4[%add3A_98, %dma_start3A_108] : memref<498688x16xf32, #tpu.memory_space<hbm>> -> memref<128x16xf32, #tpu.memory_space<hbm>>
        %dma_start3A_110 = arith.constant 0 : i32
        %dma_start3A_111 = tpu.memref_slice %arg4[%add3A_98, %dma_start3A_110] : memref<498688x16xf32, #tpu.memory_space<hbm>> -> memref<128x16xf32, #tpu.memory_space<hbm>>
        tpu.enqueue_dma source(%arg7 : memref<128x16xf32, #tpu.memory_space<vmem>>) target(%dma_start3A_111 : memref<128x16xf32, #tpu.memory_space<hbm>>) target_semaphore(%run_scoped3A : memref<!tpu.dma_semaphore, #tpu.memory_space<semaphore_mem>>)
        %dma_wait3A_112 = arith.constant 0 : i32
        %dma_wait3A_113 = tpu.memref_slice %arg4[%add3A_98, %dma_wait3A_112] : memref<498688x16xf32, #tpu.memory_space<hbm>> -> memref<128x16xf32, #tpu.memory_space<hbm>>
        %dma_wait3A_114 = arith.constant 0 : i32
        %dma_wait3A_115 = tpu.memref_slice %arg4[%add3A_98, %dma_wait3A_114] : memref<498688x16xf32, #tpu.memory_space<hbm>> -> memref<128x16xf32, #tpu.memory_space<hbm>>
        tpu.wait_dma2 semaphore(%run_scoped3A : memref<!tpu.dma_semaphore, #tpu.memory_space<semaphore_mem>>) src(%arg7 : memref<128x16xf32, #tpu.memory_space<vmem>>) dst(%dma_wait3A_115 : memref<128x16xf32, #tpu.memory_space<hbm>>)
        tpu.yield
      }) : () -> ()
      %dma_wait3A_99 = arith.constant 0 : i32
      %dma_wait3A_100 = tpu.memref_slice %arg6[%add3A_77, %dma_wait3A_99] : memref<62x128xi32, #tpu.memory_space<vmem>> -> memref<1x128xi32, #tpu.memory_space<vmem>>
      %dma_wait3A_101 = tpu.memref_squeeze %dma_wait3A_100 : memref<1x128xi32, #tpu.memory_space<vmem>> -> memref<128xi32, #tpu.memory_space<vmem>>
      %dma_wait3A_102 = arith.constant 0 : i32
      %dma_wait3A_103 = arith.constant 0 : i32
      %dma_wait3A_104 = tpu.memref_slice %arg2[%dma_wait3A_102, %dma_wait3A_103] : memref<1048576x16xf32, #tpu.memory_space<hbm>> -> memref<1048576x16xf32, #tpu.memory_space<hbm>>
      tpu.wait_indirect_dma semaphore(%arg10 : memref<!tpu.dma_semaphore, #tpu.memory_space<semaphore_mem>>) src(%dma_wait3A_104 : memref<1048576x16xf32, #tpu.memory_space<hbm>>) dst(%arg8 : memref<128x16xf32, #tpu.memory_space<vmem>>)
      %mul3A_105 = arith.constant 128 : i32
      %mul3A_106 = arith.muli %add3A_77, %mul3A_105 : i32
      %add3A_107 = arith.addi %mul3A_20, %mul3A_106 : i32
      "tpu.region"() ({
        %run_scoped3A = tpu.sem_alloc : memref<!tpu.dma_semaphore, #tpu.memory_space<semaphore_mem>>
        %dma_start3A_108 = arith.constant 0 : i32
        %dma_start3A_109 = tpu.memref_slice %arg4[%add3A_107, %dma_start3A_108] : memref<498688x16xf32, #tpu.memory_space<hbm>> -> memref<128x16xf32, #tpu.memory_space<hbm>>
        %dma_start3A_110 = arith.constant 0 : i32
        %dma_start3A_111 = tpu.memref_slice %arg4[%add3A_107, %dma_start3A_110] : memref<498688x16xf32, #tpu.memory_space<hbm>> -> memref<128x16xf32, #tpu.memory_space<hbm>>
        tpu.enqueue_dma source(%arg8 : memref<128x16xf32, #tpu.memory_space<vmem>>) target(%dma_start3A_111 : memref<128x16xf32, #tpu.memory_space<hbm>>) target_semaphore(%run_scoped3A : memref<!tpu.dma_semaphore, #tpu.memory_space<semaphore_mem>>)
        %dma_wait3A_112 = arith.constant 0 : i32
        %dma_wait3A_113 = tpu.memref_slice %arg4[%add3A_107, %dma_wait3A_112] : memref<498688x16xf32, #tpu.memory_space<hbm>> -> memref<128x16xf32, #tpu.memory_space<hbm>>
        %dma_wait3A_114 = arith.constant 0 : i32
        %dma_wait3A_115 = tpu.memref_slice %arg4[%add3A_107, %dma_wait3A_114] : memref<498688x16xf32, #tpu.memory_space<hbm>> -> memref<128x16xf32, #tpu.memory_space<hbm>>
        tpu.wait_dma2 semaphore(%run_scoped3A : memref<!tpu.dma_semaphore, #tpu.memory_space<semaphore_mem>>) src(%arg8 : memref<128x16xf32, #tpu.memory_space<vmem>>) dst(%dma_wait3A_115 : memref<128x16xf32, #tpu.memory_space<hbm>>)
        tpu.yield
      }) : () -> ()
    }
    %scan3A_26 = arith.constant 30 : i32
    %dma_start3A = arith.constant 60 : i32
    %dma_start3A_27 = arith.constant 0 : i32
    %dma_start3A_28 = tpu.memref_slice %arg6[%dma_start3A, %dma_start3A_27] : memref<62x128xi32, #tpu.memory_space<vmem>> -> memref<1x128xi32, #tpu.memory_space<vmem>>
    %dma_start3A_29 = tpu.memref_squeeze %dma_start3A_28 : memref<1x128xi32, #tpu.memory_space<vmem>> -> memref<128xi32, #tpu.memory_space<vmem>>
    %dma_start3A_30 = arith.constant 0 : i32
    %dma_start3A_31 = arith.constant 0 : i32
    %dma_start3A_32 = tpu.memref_slice %arg2[%dma_start3A_30, %dma_start3A_31] : memref<1048576x16xf32, #tpu.memory_space<hbm>> -> memref<1048576x16xf32, #tpu.memory_space<hbm>>
    tpu.enqueue_indirect_dma source(%dma_start3A_32 : memref<1048576x16xf32, #tpu.memory_space<hbm>>) target(%arg7 : memref<128x16xf32, #tpu.memory_space<vmem>>) offsets(%dma_start3A_29 : memref<128xi32, #tpu.memory_space<vmem>>) semaphore(%arg9 : memref<!tpu.dma_semaphore, #tpu.memory_space<semaphore_mem>>)
    %dma_wait3A = arith.constant 60 : i32
    %dma_wait3A_33 = arith.constant 0 : i32
    %dma_wait3A_34 = tpu.memref_slice %arg6[%dma_wait3A, %dma_wait3A_33] : memref<62x128xi32, #tpu.memory_space<vmem>> -> memref<1x128xi32, #tpu.memory_space<vmem>>
    %dma_wait3A_35 = tpu.memref_squeeze %dma_wait3A_34 : memref<1x128xi32, #tpu.memory_space<vmem>> -> memref<128xi32, #tpu.memory_space<vmem>>
    %dma_wait3A_36 = arith.constant 0 : i32
    %dma_wait3A_37 = arith.constant 0 : i32
    %dma_wait3A_38 = tpu.memref_slice %arg2[%dma_wait3A_36, %dma_wait3A_37] : memref<1048576x16xf32, #tpu.memory_space<hbm>> -> memref<1048576x16xf32, #tpu.memory_space<hbm>>
    tpu.wait_indirect_dma semaphore(%arg9 : memref<!tpu.dma_semaphore, #tpu.memory_space<semaphore_mem>>) src(%dma_wait3A_38 : memref<1048576x16xf32, #tpu.memory_space<hbm>>) dst(%arg7 : memref<128x16xf32, #tpu.memory_space<vmem>>)
    %add3A_39 = arith.constant 7680 : i32
    %add3A_40 = arith.addi %mul3A_20, %add3A_39 : i32
    "tpu.region"() ({
      %run_scoped3A = tpu.sem_alloc : memref<!tpu.dma_semaphore, #tpu.memory_space<semaphore_mem>>
      %dma_start3A_73 = arith.constant 0 : i32
      %dma_start3A_74 = arith.constant 0 : i32
      %dma_start3A_75 = tpu.memref_slice %arg7[%dma_start3A_73, %dma_start3A_74] : memref<128x16xf32, #tpu.memory_space<vmem>> -> memref<112x16xf32, #tpu.memory_space<vmem>>
      %dma_start3A_76 = arith.constant 0 : i32
      %dma_start3A_77 = tpu.memref_slice %arg4[%add3A_40, %dma_start3A_76] : memref<498688x16xf32, #tpu.memory_space<hbm>> -> memref<112x16xf32, #tpu.memory_space<hbm>>
      %dma_start3A_78 = arith.constant 0 : i32
      %dma_start3A_79 = tpu.memref_slice %arg4[%add3A_40, %dma_start3A_78] : memref<498688x16xf32, #tpu.memory_space<hbm>> -> memref<112x16xf32, #tpu.memory_space<hbm>>
      %dma_start3A_80 = arith.constant 0 : i32
      %dma_start3A_81 = arith.constant 0 : i32
      %dma_start3A_82 = tpu.memref_slice %arg7[%dma_start3A_80, %dma_start3A_81] : memref<128x16xf32, #tpu.memory_space<vmem>> -> memref<112x16xf32, #tpu.memory_space<vmem>>
      tpu.enqueue_dma source(%dma_start3A_82 : memref<112x16xf32, #tpu.memory_space<vmem>>) target(%dma_start3A_79 : memref<112x16xf32, #tpu.memory_space<hbm>>) target_semaphore(%run_scoped3A : memref<!tpu.dma_semaphore, #tpu.memory_space<semaphore_mem>>)
      %dma_wait3A_83 = arith.constant 0 : i32
      %dma_wait3A_84 = arith.constant 0 : i32
      %dma_wait3A_85 = tpu.memref_slice %arg7[%dma_wait3A_83, %dma_wait3A_84] : memref<128x16xf32, #tpu.memory_space<vmem>> -> memref<112x16xf32, #tpu.memory_space<vmem>>
      %dma_wait3A_86 = arith.constant 0 : i32
      %dma_wait3A_87 = tpu.memref_slice %arg4[%add3A_40, %dma_wait3A_86] : memref<498688x16xf32, #tpu.memory_space<hbm>> -> memref<112x16xf32, #tpu.memory_space<hbm>>
      %dma_wait3A_88 = arith.constant 0 : i32
      %dma_wait3A_89 = tpu.memref_slice %arg4[%add3A_40, %dma_wait3A_88] : memref<498688x16xf32, #tpu.memory_space<hbm>> -> memref<112x16xf32, #tpu.memory_space<hbm>>
      %dma_wait3A_90 = arith.constant 0 : i32
      %dma_wait3A_91 = arith.constant 0 : i32
      %dma_wait3A_92 = tpu.memref_slice %arg7[%dma_wait3A_90, %dma_wait3A_91] : memref<128x16xf32, #tpu.memory_space<vmem>> -> memref<112x16xf32, #tpu.memory_space<vmem>>
      tpu.wait_dma2 semaphore(%run_scoped3A : memref<!tpu.dma_semaphore, #tpu.memory_space<semaphore_mem>>) src(%dma_wait3A_92 : memref<112x16xf32, #tpu.memory_space<vmem>>) dst(%dma_wait3A_89 : memref<112x16xf32, #tpu.memory_space<hbm>>)
      tpu.yield
    }) : () -> ()
    %scan3A_41 = arith.constant 0 : i32
    %scan3A_42 = arith.constant 0 : i32
    %scan3A_43 = arith.constant 62 : i32
    %scan3A_44 = arith.addi %scan3A_42, %scan3A_43 : i32
    %scan3A_45 = arith.constant 1 : i32
    scf.for %scan3A_73 = %scan3A_42 to %scan3A_44 step %scan3A_45  : i32 {
      %get3A = arith.index_cast %scan3A_73 : i32 to index
      %get3A_74 = arith.constant 0 : index
      %get3A_75 = tpu.vector_load %arg6[%get3A, %get3A_74] {strides = array<i32>} : memref<62x128xi32, #tpu.memory_space<vmem>>, vector<1x16xi32>,
      %get3A_76 = vector.shape_cast %get3A_75 : vector<1x16xi32> to vector<16xi32>
      %add3A_77 = arith.constant 16384 : i32
      %add3A_78 = vector.broadcast %add3A_77 : i32 to vector<16xi32>
      %add3A_79 = arith.addi %get3A_76, %add3A_78 : vector<16xi32>
      %swap3A_80 = arith.index_cast %scan3A_73 : i32 to index
      %swap3A_81 = arith.constant 0 : index
      %swap3A_82 = tpu.vector_load %arg6[%swap3A_80, %swap3A_81] {strides = array<i32>} : memref<62x128xi32, #tpu.memory_space<vmem>>, vector<1x16xi32>,
      %swap3A_83 = vector.shape_cast %swap3A_82 : vector<1x16xi32> to vector<16xi32>
      %swap3A_84 = vector.shape_cast %add3A_79 : vector<16xi32> to vector<1x16xi32>
      tpu.vector_store %arg6[%swap3A_80, %swap3A_81], %swap3A_84 {strides = array<i32>} : memref<62x128xi32, #tpu.memory_space<vmem>>, vector<1x16xi32>,
      %get3A_85 = arith.index_cast %scan3A_73 : i32 to index
      %get3A_86 = arith.constant 16 : index
      %get3A_87 = tpu.vector_load %arg6[%get3A_85, %get3A_86] {strides = array<i32>} : memref<62x128xi32, #tpu.memory_space<vmem>>, vector<1x16xi32>,
      %get3A_88 = vector.shape_cast %get3A_87 : vector<1x16xi32> to vector<16xi32>
      %add3A_89 = arith.constant 16384 : i32
      %add3A_90 = vector.broadcast %add3A_89 : i32 to vector<16xi32>
      %add3A_91 = arith.addi %get3A_88, %add3A_90 : vector<16xi32>
      %swap3A_92 = arith.index_cast %scan3A_73 : i32 to index
      %swap3A_93 = arith.constant 16 : index
      %swap3A_94 = tpu.vector_load %arg6[%swap3A_92, %swap3A_93] {strides = array<i32>} : memref<62x128xi32, #tpu.memory_space<vmem>>, vector<1x16xi32>,
      %swap3A_95 = vector.shape_cast %swap3A_94 : vector<1x16xi32> to vector<16xi32>
      %swap3A_96 = vector.shape_cast %add3A_91 : vector<16xi32> to vector<1x16xi32>
      tpu.vector_store %arg6[%swap3A_92, %swap3A_93], %swap3A_96 {strides = array<i32>} : memref<62x128xi32, #tpu.memory_space<vmem>>, vector<1x16xi32>,
      %get3A_97 = arith.index_cast %scan3A_73 : i32 to index
      %get3A_98 = arith.constant 32 : index
      %get3A_99 = tpu.vector_load %arg6[%get3A_97, %get3A_98] {strides = array<i32>} : memref<62x128xi32, #tpu.memory_space<vmem>>, vector<1x16xi32>,
      %get3A_100 = vector.shape_cast %get3A_99 : vector<1x16xi32> to vector<16xi32>
      %add3A_101 = arith.constant 16384 : i32
      %add3A_102 = vector.broadcast %add3A_101 : i32 to vector<16xi32>
      %add3A_103 = arith.addi %get3A_100, %add3A_102 : vector<16xi32>
      %swap3A_104 = arith.index_cast %scan3A_73 : i32 to index
      %swap3A_105 = arith.constant 32 : index
      %swap3A_106 = tpu.vector_load %arg6[%swap3A_104, %swap3A_105] {strides = array<i32>} : memref<62x128xi32, #tpu.memory_space<vmem>>, vector<1x16xi32>,
      %swap3A_107 = vector.shape_cast %swap3A_106 : vector<1x16xi32> to vector<16xi32>
      %swap3A_108 = vector.shape_cast %add3A_103 : vector<16xi32> to vector<1x16xi32>
      tpu.vector_store %arg6[%swap3A_104, %swap3A_105], %swap3A_108 {strides = array<i32>} : memref<62x128xi32, #tpu.memory_space<vmem>>, vector<1x16xi32>,
      %get3A_109 = arith.index_cast %scan3A_73 : i32 to index
      %get3A_110 = arith.constant 48 : index
      %get3A_111 = tpu.vector_load %arg6[%get3A_109, %get3A_110] {strides = array<i32>} : memref<62x128xi32, #tpu.memory_space<vmem>>, vector<1x16xi32>,
      %get3A_112 = vector.shape_cast %get3A_111 : vector<1x16xi32> to vector<16xi32>
      %add3A_113 = arith.constant 16384 : i32
      %add3A_114 = vector.broadcast %add3A_113 : i32 to vector<16xi32>
      %add3A_115 = arith.addi %get3A_112, %add3A_114 : vector<16xi32>
      %swap3A_116 = arith.index_cast %scan3A_73 : i32 to index
      %swap3A_117 = arith.constant 48 : index
      %swap3A_118 = tpu.vector_load %arg6[%swap3A_116, %swap3A_117] {strides = array<i32>} : memref<62x128xi32, #tpu.memory_space<vmem>>, vector<1x16xi32>,
      %swap3A_119 = vector.shape_cast %swap3A_118 : vector<1x16xi32> to vector<16xi32>
      %swap3A_120 = vector.shape_cast %add3A_115 : vector<16xi32> to vector<1x16xi32>
      tpu.vector_store %arg6[%swap3A_116, %swap3A_117], %swap3A_120 {strides = array<i32>} : memref<62x128xi32, #tpu.memory_space<vmem>>, vector<1x16xi32>,
      %get3A_121 = arith.index_cast %scan3A_73 : i32 to index
      %get3A_122 = arith.constant 64 : index
      %get3A_123 = tpu.vector_load %arg6[%get3A_121, %get3A_122] {strides = array<i32>} : memref<62x128xi32, #tpu.memory_space<vmem>>, vector<1x16xi32>,
      %get3A_124 = vector.shape_cast %get3A_123 : vector<1x16xi32> to vector<16xi32>
      %add3A_125 = arith.constant 16384 : i32
      %add3A_126 = vector.broadcast %add3A_125 : i32 to vector<16xi32>
      %add3A_127 = arith.addi %get3A_124, %add3A_126 : vector<16xi32>
      %swap3A_128 = arith.index_cast %scan3A_73 : i32 to index
      %swap3A_129 = arith.constant 64 : index
      %swap3A_130 = tpu.vector_load %arg6[%swap3A_128, %swap3A_129] {strides = array<i32>} : memref<62x128xi32, #tpu.memory_space<vmem>>, vector<1x16xi32>,
      %swap3A_131 = vector.shape_cast %swap3A_130 : vector<1x16xi32> to vector<16xi32>
      %swap3A_132 = vector.shape_cast %add3A_127 : vector<16xi32> to vector<1x16xi32>
      tpu.vector_store %arg6[%swap3A_128, %swap3A_129], %swap3A_132 {strides = array<i32>} : memref<62x128xi32, #tpu.memory_space<vmem>>, vector<1x16xi32>,
      %get3A_133 = arith.index_cast %scan3A_73 : i32 to index
      %get3A_134 = arith.constant 80 : index
      %get3A_135 = tpu.vector_load %arg6[%get3A_133, %get3A_134] {strides = array<i32>} : memref<62x128xi32, #tpu.memory_space<vmem>>, vector<1x16xi32>,
      %get3A_136 = vector.shape_cast %get3A_135 : vector<1x16xi32> to vector<16xi32>
      %add3A_137 = arith.constant 16384 : i32
      %add3A_138 = vector.broadcast %add3A_137 : i32 to vector<16xi32>
      %add3A_139 = arith.addi %get3A_136, %add3A_138 : vector<16xi32>
      %swap3A_140 = arith.index_cast %scan3A_73 : i32 to index
      %swap3A_141 = arith.constant 80 : index
      %swap3A_142 = tpu.vector_load %arg6[%swap3A_140, %swap3A_141] {strides = array<i32>} : memref<62x128xi32, #tpu.memory_space<vmem>>, vector<1x16xi32>,
      %swap3A_143 = vector.shape_cast %swap3A_142 : vector<1x16xi32> to vector<16xi32>
      %swap3A_144 = vector.shape_cast %add3A_139 : vector<16xi32> to vector<1x16xi32>
      tpu.vector_store %arg6[%swap3A_140, %swap3A_141], %swap3A_144 {strides = array<i32>} : memref<62x128xi32, #tpu.memory_space<vmem>>, vector<1x16xi32>,
      %get3A_145 = arith.index_cast %scan3A_73 : i32 to index
      %get3A_146 = arith.constant 96 : index
      %get3A_147 = tpu.vector_load %arg6[%get3A_145, %get3A_146] {strides = array<i32>} : memref<62x128xi32, #tpu.memory_space<vmem>>, vector<1x16xi32>,
      %get3A_148 = vector.shape_cast %get3A_147 : vector<1x16xi32> to vector<16xi32>
      %add3A_149 = arith.constant 16384 : i32
      %add3A_150 = vector.broadcast %add3A_149 : i32 to vector<16xi32>
      %add3A_151 = arith.addi %get3A_148, %add3A_150 : vector<16xi32>
      %swap3A_152 = arith.index_cast %scan3A_73 : i32 to index
      %swap3A_153 = arith.constant 96 : index
      %swap3A_154 = tpu.vector_load %arg6[%swap3A_152, %swap3A_153] {strides = array<i32>} : memref<62x128xi32, #tpu.memory_space<vmem>>, vector<1x16xi32>,
      %swap3A_155 = vector.shape_cast %swap3A_154 : vector<1x16xi32> to vector<16xi32>
      %swap3A_156 = vector.shape_cast %add3A_151 : vector<16xi32> to vector<1x16xi32>
      tpu.vector_store %arg6[%swap3A_152, %swap3A_153], %swap3A_156 {strides = array<i32>} : memref<62x128xi32, #tpu.memory_space<vmem>>, vector<1x16xi32>,
      %get3A_157 = arith.index_cast %scan3A_73 : i32 to index
      %get3A_158 = arith.constant 112 : index
      %get3A_159 = tpu.vector_load %arg6[%get3A_157, %get3A_158] {strides = array<i32>} : memref<62x128xi32, #tpu.memory_space<vmem>>, vector<1x16xi32>,
      %get3A_160 = vector.shape_cast %get3A_159 : vector<1x16xi32> to vector<16xi32>
      %add3A_161 = arith.constant 16384 : i32
      %add3A_162 = vector.broadcast %add3A_161 : i32 to vector<16xi32>
      %add3A_163 = arith.addi %get3A_160, %add3A_162 : vector<16xi32>
      %swap3A_164 = arith.index_cast %scan3A_73 : i32 to index
      %swap3A_165 = arith.constant 112 : index
      %swap3A_166 = tpu.vector_load %arg6[%swap3A_164, %swap3A_165] {strides = array<i32>} : memref<62x128xi32, #tpu.memory_space<vmem>>, vector<1x16xi32>,
      %swap3A_167 = vector.shape_cast %swap3A_166 : vector<1x16xi32> to vector<16xi32>
      %swap3A_168 = vector.shape_cast %add3A_163 : vector<16xi32> to vector<1x16xi32>
      tpu.vector_store %arg6[%swap3A_164, %swap3A_165], %swap3A_168 {strides = array<i32>} : memref<62x128xi32, #tpu.memory_space<vmem>>, vector<1x16xi32>,
    }
    %scan3A_46 = arith.constant 62 : i32
    %add3A_47 = arith.constant 1 : i32
    %add3A_48 = arith.addi %mul3A_6, %add3A_47 : i32
    %mul3A_49 = arith.constant 7792 : i32
    %mul3A_50 = arith.muli %add3A_48, %mul3A_49 : i32
    %scan3A_51 = arith.constant 0 : i32
    %scan3A_52 = arith.constant 0 : i32
    %scan3A_53 = arith.constant 30 : i32
    %scan3A_54 = arith.addi %scan3A_52, %scan3A_53 : i32
    %scan3A_55 = arith.constant 1 : i32
    scf.for %scan3A_73 = %scan3A_52 to %scan3A_54 step %scan3A_55  : i32 {
      %mul3A_74 = arith.constant 2 : i32
      %mul3A_75 = arith.muli %scan3A_73, %mul3A_74 : i32
      %add3A_76 = arith.constant 1 : i32
      %add3A_77 = arith.addi %mul3A_75, %add3A_76 : i32
      %dma_start3A_78 = arith.constant 0 : i32
      %dma_start3A_79 = tpu.memref_slice %arg6[%mul3A_75, %dma_start3A_78] : memref<62x128xi32, #tpu.memory_space<vmem>> -> memref<1x128xi32, #tpu.memory_space<vmem>>
      %dma_start3A_80 = tpu.memref_squeeze %dma_start3A_79 : memref<1x128xi32, #tpu.memory_space<vmem>> -> memref<128xi32, #tpu.memory_space<vmem>>
      %dma_start3A_81 = arith.constant 0 : i32
      %dma_start3A_82 = arith.constant 0 : i32
      %dma_start3A_83 = tpu.memref_slice %arg2[%dma_start3A_81, %dma_start3A_82] : memref<1048576x16xf32, #tpu.memory_space<hbm>> -> memref<1048576x16xf32, #tpu.memory_space<hbm>>
      tpu.enqueue_indirect_dma source(%dma_start3A_83 : memref<1048576x16xf32, #tpu.memory_space<hbm>>) target(%arg7 : memref<128x16xf32, #tpu.memory_space<vmem>>) offsets(%dma_start3A_80 : memref<128xi32, #tpu.memory_space<vmem>>) semaphore(%arg9 : memref<!tpu.dma_semaphore, #tpu.memory_space<semaphore_mem>>)
      %dma_start3A_84 = arith.constant 0 : i32
      %dma_start3A_85 = tpu.memref_slice %arg6[%add3A_77, %dma_start3A_84] : memref<62x128xi32, #tpu.memory_space<vmem>> -> memref<1x128xi32, #tpu.memory_space<vmem>>
      %dma_start3A_86 = tpu.memref_squeeze %dma_start3A_85 : memref<1x128xi32, #tpu.memory_space<vmem>> -> memref<128xi32, #tpu.memory_space<vmem>>
      %dma_start3A_87 = arith.constant 0 : i32
      %dma_start3A_88 = arith.constant 0 : i32
      %dma_start3A_89 = tpu.memref_slice %arg2[%dma_start3A_87, %dma_start3A_88] : memref<1048576x16xf32, #tpu.memory_space<hbm>> -> memref<1048576x16xf32, #tpu.memory_space<hbm>>
      tpu.enqueue_indirect_dma source(%dma_start3A_89 : memref<1048576x16xf32, #tpu.memory_space<hbm>>) target(%arg8 : memref<128x16xf32, #tpu.memory_space<vmem>>) offsets(%dma_start3A_86 : memref<128xi32, #tpu.memory_space<vmem>>) semaphore(%arg10 : memref<!tpu.dma_semaphore, #tpu.memory_space<semaphore_mem>>)
      %dma_wait3A_90 = arith.constant 0 : i32
      %dma_wait3A_91 = tpu.memref_slice %arg6[%mul3A_75, %dma_wait3A_90] : memref<62x128xi32, #tpu.memory_space<vmem>> -> memref<1x128xi32, #tpu.memory_space<vmem>>
      %dma_wait3A_92 = tpu.memref_squeeze %dma_wait3A_91 : memref<1x128xi32, #tpu.memory_space<vmem>> -> memref<128xi32, #tpu.memory_space<vmem>>
      %dma_wait3A_93 = arith.constant 0 : i32
      %dma_wait3A_94 = arith.constant 0 : i32
      %dma_wait3A_95 = tpu.memref_slice %arg2[%dma_wait3A_93, %dma_wait3A_94] : memref<1048576x16xf32, #tpu.memory_space<hbm>> -> memref<1048576x16xf32, #tpu.memory_space<hbm>>
      tpu.wait_indirect_dma semaphore(%arg9 : memref<!tpu.dma_semaphore, #tpu.memory_space<semaphore_mem>>) src(%dma_wait3A_95 : memref<1048576x16xf32, #tpu.memory_space<hbm>>) dst(%arg7 : memref<128x16xf32, #tpu.memory_space<vmem>>)
      %mul3A_96 = arith.constant 128 : i32
      %mul3A_97 = arith.muli %mul3A_75, %mul3A_96 : i32
      %add3A_98 = arith.addi %mul3A_50, %mul3A_97 : i32
      "tpu.region"() ({
        %run_scoped3A = tpu.sem_alloc : memref<!tpu.dma_semaphore, #tpu.memory_space<semaphore_mem>>
        %dma_start3A_108 = arith.constant 0 : i32
        %dma_start3A_109 = tpu.memref_slice %arg4[%add3A_98, %dma_start3A_108] : memref<498688x16xf32, #tpu.memory_space<hbm>> -> memref<128x16xf32, #tpu.memory_space<hbm>>
        %dma_start3A_110 = arith.constant 0 : i32
        %dma_start3A_111 = tpu.memref_slice %arg4[%add3A_98, %dma_start3A_110] : memref<498688x16xf32, #tpu.memory_space<hbm>> -> memref<128x16xf32, #tpu.memory_space<hbm>>
        tpu.enqueue_dma source(%arg7 : memref<128x16xf32, #tpu.memory_space<vmem>>) target(%dma_start3A_111 : memref<128x16xf32, #tpu.memory_space<hbm>>) target_semaphore(%run_scoped3A : memref<!tpu.dma_semaphore, #tpu.memory_space<semaphore_mem>>)
        %dma_wait3A_112 = arith.constant 0 : i32
        %dma_wait3A_113 = tpu.memref_slice %arg4[%add3A_98, %dma_wait3A_112] : memref<498688x16xf32, #tpu.memory_space<hbm>> -> memref<128x16xf32, #tpu.memory_space<hbm>>
        %dma_wait3A_114 = arith.constant 0 : i32
        %dma_wait3A_115 = tpu.memref_slice %arg4[%add3A_98, %dma_wait3A_114] : memref<498688x16xf32, #tpu.memory_space<hbm>> -> memref<128x16xf32, #tpu.memory_space<hbm>>
        tpu.wait_dma2 semaphore(%run_scoped3A : memref<!tpu.dma_semaphore, #tpu.memory_space<semaphore_mem>>) src(%arg7 : memref<128x16xf32, #tpu.memory_space<vmem>>) dst(%dma_wait3A_115 : memref<128x16xf32, #tpu.memory_space<hbm>>)
        tpu.yield
      }) : () -> ()
      %dma_wait3A_99 = arith.constant 0 : i32
      %dma_wait3A_100 = tpu.memref_slice %arg6[%add3A_77, %dma_wait3A_99] : memref<62x128xi32, #tpu.memory_space<vmem>> -> memref<1x128xi32, #tpu.memory_space<vmem>>
      %dma_wait3A_101 = tpu.memref_squeeze %dma_wait3A_100 : memref<1x128xi32, #tpu.memory_space<vmem>> -> memref<128xi32, #tpu.memory_space<vmem>>
      %dma_wait3A_102 = arith.constant 0 : i32
      %dma_wait3A_103 = arith.constant 0 : i32
      %dma_wait3A_104 = tpu.memref_slice %arg2[%dma_wait3A_102, %dma_wait3A_103] : memref<1048576x16xf32, #tpu.memory_space<hbm>> -> memref<1048576x16xf32, #tpu.memory_space<hbm>>
      tpu.wait_indirect_dma semaphore(%arg10 : memref<!tpu.dma_semaphore, #tpu.memory_space<semaphore_mem>>) src(%dma_wait3A_104 : memref<1048576x16xf32, #tpu.memory_space<hbm>>) dst(%arg8 : memref<128x16xf32, #tpu.memory_space<vmem>>)
      %mul3A_105 = arith.constant 128 : i32
      %mul3A_106 = arith.muli %add3A_77, %mul3A_105 : i32
      %add3A_107 = arith.addi %mul3A_50, %mul3A_106 : i32
      "tpu.region"() ({
        %run_scoped3A = tpu.sem_alloc : memref<!tpu.dma_semaphore, #tpu.memory_space<semaphore_mem>>
        %dma_start3A_108 = arith.constant 0 : i32
        %dma_start3A_109 = tpu.memref_slice %arg4[%add3A_107, %dma_start3A_108] : memref<498688x16xf32, #tpu.memory_space<hbm>> -> memref<128x16xf32, #tpu.memory_space<hbm>>
        %dma_start3A_110 = arith.constant 0 : i32
        %dma_start3A_111 = tpu.memref_slice %arg4[%add3A_107, %dma_start3A_110] : memref<498688x16xf32, #tpu.memory_space<hbm>> -> memref<128x16xf32, #tpu.memory_space<hbm>>
        tpu.enqueue_dma source(%arg8 : memref<128x16xf32, #tpu.memory_space<vmem>>) target(%dma_start3A_111 : memref<128x16xf32, #tpu.memory_space<hbm>>) target_semaphore(%run_scoped3A : memref<!tpu.dma_semaphore, #tpu.memory_space<semaphore_mem>>)
        %dma_wait3A_112 = arith.constant 0 : i32
        %dma_wait3A_113 = tpu.memref_slice %arg4[%add3A_107, %dma_wait3A_112] : memref<498688x16xf32, #tpu.memory_space<hbm>> -> memref<128x16xf32, #tpu.memory_space<hbm>>
        %dma_wait3A_114 = arith.constant 0 : i32
        %dma_wait3A_115 = tpu.memref_slice %arg4[%add3A_107, %dma_wait3A_114] : memref<498688x16xf32, #tpu.memory_space<hbm>> -> memref<128x16xf32, #tpu.memory_space<hbm>>
        tpu.wait_dma2 semaphore(%run_scoped3A : memref<!tpu.dma_semaphore, #tpu.memory_space<semaphore_mem>>) src(%arg8 : memref<128x16xf32, #tpu.memory_space<vmem>>) dst(%dma_wait3A_115 : memref<128x16xf32, #tpu.memory_space<hbm>>)
        tpu.yield
      }) : () -> ()
    }
    %scan3A_56 = arith.constant 30 : i32
    %dma_start3A_57 = arith.constant 60 : i32
    %dma_start3A_58 = arith.constant 0 : i32
    %dma_start3A_59 = tpu.memref_slice %arg6[%dma_start3A_57, %dma_start3A_58] : memref<62x128xi32, #tpu.memory_space<vmem>> -> memref<1x128xi32, #tpu.memory_space<vmem>>
    %dma_start3A_60 = tpu.memref_squeeze %dma_start3A_59 : memref<1x128xi32, #tpu.memory_space<vmem>> -> memref<128xi32, #tpu.memory_space<vmem>>
    %dma_start3A_61 = arith.constant 0 : i32
    %dma_start3A_62 = arith.constant 0 : i32
    %dma_start3A_63 = tpu.memref_slice %arg2[%dma_start3A_61, %dma_start3A_62] : memref<1048576x16xf32, #tpu.memory_space<hbm>> -> memref<1048576x16xf32, #tpu.memory_space<hbm>>
    tpu.enqueue_indirect_dma source(%dma_start3A_63 : memref<1048576x16xf32, #tpu.memory_space<hbm>>) target(%arg7 : memref<128x16xf32, #tpu.memory_space<vmem>>) offsets(%dma_start3A_60 : memref<128xi32, #tpu.memory_space<vmem>>) semaphore(%arg9 : memref<!tpu.dma_semaphore, #tpu.memory_space<semaphore_mem>>)
    %dma_wait3A_64 = arith.constant 60 : i32
    %dma_wait3A_65 = arith.constant 0 : i32
    %dma_wait3A_66 = tpu.memref_slice %arg6[%dma_wait3A_64, %dma_wait3A_65] : memref<62x128xi32, #tpu.memory_space<vmem>> -> memref<1x128xi32, #tpu.memory_space<vmem>>
    %dma_wait3A_67 = tpu.memref_squeeze %dma_wait3A_66 : memref<1x128xi32, #tpu.memory_space<vmem>> -> memref<128xi32, #tpu.memory_space<vmem>>
    %dma_wait3A_68 = arith.constant 0 : i32
    %dma_wait3A_69 = arith.constant 0 : i32
    %dma_wait3A_70 = tpu.memref_slice %arg2[%dma_wait3A_68, %dma_wait3A_69] : memref<1048576x16xf32, #tpu.memory_space<hbm>> -> memref<1048576x16xf32, #tpu.memory_space<hbm>>
    tpu.wait_indirect_dma semaphore(%arg9 : memref<!tpu.dma_semaphore, #tpu.memory_space<semaphore_mem>>) src(%dma_wait3A_70 : memref<1048576x16xf32, #tpu.memory_space<hbm>>) dst(%arg7 : memref<128x16xf32, #tpu.memory_space<vmem>>)
    %add3A_71 = arith.constant 7680 : i32
    %add3A_72 = arith.addi %mul3A_50, %add3A_71 : i32
    "tpu.region"() ({
      %run_scoped3A = tpu.sem_alloc : memref<!tpu.dma_semaphore, #tpu.memory_space<semaphore_mem>>
      %dma_start3A_73 = arith.constant 0 : i32
      %dma_start3A_74 = arith.constant 0 : i32
      %dma_start3A_75 = tpu.memref_slice %arg7[%dma_start3A_73, %dma_start3A_74] : memref<128x16xf32, #tpu.memory_space<vmem>> -> memref<112x16xf32, #tpu.memory_space<vmem>>
      %dma_start3A_76 = arith.constant 0 : i32
      %dma_start3A_77 = tpu.memref_slice %arg4[%add3A_72, %dma_start3A_76] : memref<498688x16xf32, #tpu.memory_space<hbm>> -> memref<112x16xf32, #tpu.memory_space<hbm>>
      %dma_start3A_78 = arith.constant 0 : i32
      %dma_start3A_79 = tpu.memref_slice %arg4[%add3A_72, %dma_start3A_78] : memref<498688x16xf32, #tpu.memory_space<hbm>> -> memref<112x16xf32, #tpu.memory_space<hbm>>
      %dma_start3A_80 = arith.constant 0 : i32
      %dma_start3A_81 = arith.constant 0 : i32
      %dma_start3A_82 = tpu.memref_slice %arg7[%dma_start3A_80, %dma_start3A_81] : memref<128x16xf32, #tpu.memory_space<vmem>> -> memref<112x16xf32, #tpu.memory_space<vmem>>
      tpu.enqueue_dma source(%dma_start3A_82 : memref<112x16xf32, #tpu.memory_space<vmem>>) target(%dma_start3A_79 : memref<112x16xf32, #tpu.memory_space<hbm>>) target_semaphore(%run_scoped3A : memref<!tpu.dma_semaphore, #tpu.memory_space<semaphore_mem>>)
      %dma_wait3A_83 = arith.constant 0 : i32
      %dma_wait3A_84 = arith.constant 0 : i32
      %dma_wait3A_85 = tpu.memref_slice %arg7[%dma_wait3A_83, %dma_wait3A_84] : memref<128x16xf32, #tpu.memory_space<vmem>> -> memref<112x16xf32, #tpu.memory_space<vmem>>
      %dma_wait3A_86 = arith.constant 0 : i32
      %dma_wait3A_87 = tpu.memref_slice %arg4[%add3A_72, %dma_wait3A_86] : memref<498688x16xf32, #tpu.memory_space<hbm>> -> memref<112x16xf32, #tpu.memory_space<hbm>>
      %dma_wait3A_88 = arith.constant 0 : i32
      %dma_wait3A_89 = tpu.memref_slice %arg4[%add3A_72, %dma_wait3A_88] : memref<498688x16xf32, #tpu.memory_space<hbm>> -> memref<112x16xf32, #tpu.memory_space<hbm>>
      %dma_wait3A_90 = arith.constant 0 : i32
      %dma_wait3A_91 = arith.constant 0 : i32
      %dma_wait3A_92 = tpu.memref_slice %arg7[%dma_wait3A_90, %dma_wait3A_91] : memref<128x16xf32, #tpu.memory_space<vmem>> -> memref<112x16xf32, #tpu.memory_space<vmem>>
      tpu.wait_dma2 semaphore(%run_scoped3A : memref<!tpu.dma_semaphore, #tpu.memory_space<semaphore_mem>>) src(%dma_wait3A_92 : memref<112x16xf32, #tpu.memory_space<vmem>>) dst(%dma_wait3A_89 : memref<112x16xf32, #tpu.memory_space<hbm>>)
      tpu.yield
    }) : () -> ()
    return
  }
}

</mosaic_0001>

<sc_bundles>
// kernel: kernel.3.cloned.1.call-start
scs
__scs_entry_jumppad:
0x0: {  	(pc) =	sbr.rel $0x88, $3  }
0x1: {  	(tag) =	ssettag $0x0;
	lr =	simm.s32 $0x1  }
0x2: {  	[smem:$0x3F9F] =	sst lr;
	_ =	strace $0xD0000000  }
0x3: {  	_ = 	snop  }
0x4: {  	_ = 	snop  }
0x5: {  	_ = 	snop  }
0x6: {  	_ = 	snop  }
0x7: {  	_ = 	snop  }
__scs_overlays_trampoline_lowered:
0x8: {  	[smem:$0x3FAE] =	sst s0  }
0x9: {  	[smem:$0x3FAF] =	sst s1  }
0xa: {  	[smem:$0x3FB0] =	sst s2  }
0xb: {  	[smem:$0x3FB1] =	sst s3  }
0xc: {  	[smem:$0x3FB2] =	sst s4  }
0xd: {  	[smem:$0x3FB3] =	sst s5  }
0xe: {  	[smem:$0x3FB4] =	sst s6  }
0xf: {  	[smem:$0x3FB5] =	sst s7  }
0x10: {  	[smem:$0x3FB6] =	sst s8  }
0x11: {  	[smem:$0x3FB7] =	sst s9;
	s0 =	simm.s32 @!p0 $0x0  }
0x12: {  	s1 =	sld [smem:$0x3F9D];
	s0 =	simm.s32 @p0 $0x1  }
0x13: {  	[smem:$0x3FB8] =	sst s0;
	s0 =	simm.s32 @!p1 $0x0  }
0x14: {  	s2 =	sld [smem:$0x3F9C];
	s0 =	simm.s32 @p1 $0x1  }
0x15: {  	[smem:$0x3FB9] =	sst s0;
	s0 =	simm.s32 @!p2 $0x0  }
0x16: {  	s3 =	sld [smem:$0x3FDB];
	s0 =	simm.s32 @p2 $0x1  }
0x17: {  	s4 =	simm.s32 $0x1BF5;
	[smem:$0x3FBB] =	sst s0  }
0x18: {  	s0 =	sld [smem:$0x3F9E];
	_ =	swait.ge [sflag:s4], $0x0  }
0x19: {  	s7 =	sld [smem:$0x3F9F]  }
0x1a: {  	s8 =	sadd.s32 $0xFFFFE003, lr  }
0x1b: {  	s9 =	sadd.s32 $0xFFFFFEF7, lr;
	s5 =	simm.s32 $0xFFFFFFFF;
	p2 =	slt.u32 s8, $0xFFFFF086  }
0x1c: {  	p1 =	slt.u32 s9, $0xF7A;
	s5 =	simm.s32 @!p2 $0x0  }
0x1d: {  	s5 =	simm.s32 @p1 $0x1;
	p0 =	seq.s32 s7, s2  }
0x1e: {  	s7 =	smul.u32 @!p0 $0xF7A, s2;
	p2 =	seq.s32 @!p0 s5, $0x0  }
0x1f: {  	s9 =	smul.u32 $0xF7A, s1;
	s8 =	simm.s32 @!p0 $0x1BF5;
	p2 =	por !p2, p0  }
0x20: {  	[sflag:s8] =	ssyncset.s32 @!p0 $0xFFFFF086;
	s6 =	sadd.s32 @!p0 s3, s7;
	s7 =	simm.s32 @!p0 $0x108  }
0x21: {  	s3 =	sadd.s32 s3, s9;
	s6 =	sadd.s32 @!p0 $0x88, s6;
	s7 =	simm.s32 @p2 $0x1082  }
0x22: {  	[simem:s7], [sflag:s8] =	dma.local @!p0 [hbm:s6], $0xF7A  }
0x23: {  	s9 =	sor.u32 $0xD0000000, s2;
	s6 =	simm.s32 $0x108;
	_ =	swait.ge @!p0 [sflag:s8], $0x0  }
0x24: {  	s3 =	sadd.s32 $0x88, s3;
	s6 =	simm.s32 @!p1 $0x1082;
	[sflag:s4] =	ssyncset.s32 $0xFFFFF086  }
0x25: {  	[simem:s6], [sflag:s4] =	dma.local [hbm:s3], $0xF7A  }
0x26: {  	[smem:$0x3F9F] =	sst s1;
	(tag) =	ssettag s2;
	_ =	strace s9  }
0x27: {  	s1 =	sld [smem:$0x3FAF]  }
0x28: {  	s2 =	sld [smem:$0x3FB0]  }
0x29: {  	s4 =	sld [smem:$0x3FB2]  }
0x2a: {  	p0 =	seq.s32 s5, $0x0;
	s5 =	sld [smem:$0x3FB3]  }
0x2b: {  	s6 =	sld [smem:$0x3FB4]  }
0x2c: {  	s7 =	sld [smem:$0x3FB5]  }
0x2d: {  	s3 =	simm.s32 $0x108;
	s8 =	sld [smem:$0x3FB6]  }
0x2e: {  	s3 =	simm.s32 @!p0 $0x1082;
	s9 =	sld [smem:$0x3FB7]  }
0x2f: {  	lr =	sadd.s32 s0, s3;
	s0 =	sld [smem:$0x3FAE]  }
0x30: {  	s3 =	sld [smem:$0x3FB1]  }
0x31: {  	[smem:$0x3FBA] =	sst s10  }
0x32: {  	s10 =	sld [smem:$0x3FB8];
	_ =	sdelay $0x3  }
0x33: {  	p0 =	seq.s32 s10, $0x1;
	s10 =	sld [smem:$0x3FBA];
	_ =	sdelay $0x3  }
0x34: {  	[smem:$0x3FBA] =	sst s10  }
0x35: {  	s10 =	sld [smem:$0x3FB9];
	_ =	sdelay $0x3  }
0x36: {  	p1 =	seq.s32 s10, $0x1;
	s10 =	sld [smem:$0x3FBA];
	_ =	sdelay $0x3  }
0x37: {  	[smem:$0x3FBA] =	sst s10  }
0x38: {  	s10 =	sld [smem:$0x3FBB]  }
0x39: {  	_ = 	snop;
	(pc) =	sbr.ind lr, $3  }
0x3a: {  	_ = 	snop  }
0x3b: {  	_ = 	snop  }
0x3c: {  	p2 =	seq.s32 s10, $0x1;
	s10 =	sld [smem:$0x3FBA]  }
0x3d: {  	_ =	shalt  }
0x3e: {  	_ =	shalt  }
0x3f: {  	_ =	shalt  }
0x40: {  	_ =	shalt  }
0x41: {  	_ =	shalt  }
0x42: {  	_ =	shalt  }
0x43: {  	_ =	shalt  }
0x44: {  	_ =	shalt  }
0x45: {  	_ =	shalt  }
0x46: {  	_ =	shalt  }
0x47: {  	_ =	shalt  }
0x48: {  	_ =	shalt  }
0x49: {  	_ =	shalt  }
0x4a: {  	_ =	shalt  }
0x4b: {  	_ =	shalt  }
0x4c: {  	_ =	shalt  }
0x4d: {  	_ =	shalt  }
0x4e: {  	_ =	shalt  }
0x4f: {  	_ =	shalt  }
0x50: {  	_ =	shalt  }
0x51: {  	_ =	shalt  }
0x52: {  	_ =	shalt  }
0x53: {  	_ =	shalt  }
0x54: {  	_ =	shalt  }
0x55: {  	_ =	shalt  }
0x56: {  	_ =	shalt  }
0x57: {  	_ =	shalt  }
0x58: {  	_ =	shalt  }
0x59: {  	_ =	shalt  }
0x5a: {  	_ =	shalt  }
0x5b: {  	_ =	shalt  }
0x5c: {  	_ =	shalt  }
0x5d: {  	_ =	shalt  }
0x5e: {  	_ =	shalt  }
0x5f: {  	_ =	shalt  }
0x60: {  	_ =	shalt  }
0x61: {  	_ =	shalt  }
0x62: {  	_ =	shalt  }
0x63: {  	_ =	shalt  }
0x64: {  	_ =	shalt  }
0x65: {  	_ =	shalt  }
0x66: {  	_ =	shalt  }
0x67: {  	_ =	shalt  }
0x68: {  	_ =	shalt  }
0x69: {  	_ =	shalt  }
0x6a: {  	_ =	shalt  }
0x6b: {  	_ =	shalt  }
0x6c: {  	_ =	shalt  }
0x6d: {  	_ =	shalt  }
0x6e: {  	_ =	shalt  }
0x6f: {  	_ =	shalt  }
0x70: {  	_ =	shalt  }
0x71: {  	_ =	shalt  }
0x72: {  	_ =	shalt  }
0x73: {  	_ =	shalt  }
0x74: {  	_ =	shalt  }
0x75: {  	_ =	shalt  }
0x76: {  	_ =	shalt  }
0x77: {  	_ =	shalt  }
0x78: {  	_ =	shalt  }
0x79: {  	_ =	shalt  }
0x7a: {  	_ =	shalt  }
0x7b: {  	_ =	shalt  }
0x7c: {  	_ =	shalt  }
0x7d: {  	_ =	shalt  }
0x7e: {  	_ =	shalt  }
0x7f: {  	_ =	shalt  }
0x80: {  	_ =	shalt  }
0x81: {  	_ =	shalt  }
0x82: {  	_ =	shalt  }
0x83: {  	_ =	shalt  }
0x84: {  	_ =	shalt  }
0x85: {  	_ =	shalt  }
0x86: {  	_ =	shalt  }
0x87: {  	_ =	shalt  }
.Lfunc_end0:
.L_simem_size_0:
called_computation.1_lowered:
.L_overlay_start_0:
0x88: {  	s2 =	sld [smem:$0x3FD9]  }
0x89: {  	s3 =	sld [smem:$0x3FFE];
	_ =	sdelay $0x1  }
0x8a: {  	s1 =	srdreg.scid  }
0x8b: {  	s0 =	sand.u32 $0x1, s1  }
0x8c: {  	s17 =	sshll.u32 s0, $0xA;
	s2 =	sadd.s32 s3, s2  }
0x8d: {  	s2 =	sadd.s32 s2, s17  }
0x8e: {  	[smem:$0x3FC6] =	sst s2  }
0x8f: {  	_ = 	snop  }
0x90: {  	s2 =	sld [smem:$0x3FC8]  }
0x91: {  	s18 =	sld [smem:$0x3FD0];
	(tm) =	ssettm $0x1  }
0x92: {  	s4 =	sld [smem:$0x3FFB];
	_ =	sdelay $0x3  }
0x93: {  	_ =	strace s4  }
0x94: {  	s4 =	sld [smem:$0x3FFC];
	_ =	sdelay $0x3  }
0x95: {  	_ =	strace s4  }
0x96: {  	s4 =	sld [smem:$0x3FFD];
	_ =	sdelay $0x3  }
0x97: {  	_ =	strace s4  }
0x98: {  	_ =	strace $0x8FFFFFFF  }
0x99: {  	s19 =	sld [smem:$0x3FDB];
	_ =	sdelay $0x1  }
0x9a: {  	s5 =	simm.s32 $_scs_section_size  }
0x9b: {  	s6 =	simm.s32 $_size__tile_overlayer_lowered;
	s7 =	simm.s32 $_tile_overlayer_lowered  }
0x9c: {  	s22 =	simm.s32 $0x1BFF;
	s21 =	sshll.u32 s7, $0x1;
	s4 =	sadd.s32 s5, s19  }
0x9d: {  	s8 =	simm.s32 $0x0;
	s20 =	sshll.u32 s6, $0x1;
	s6 =	sadd.s32 s21, s4  }
0x9e: {  	[timem:s8], [sflag:s22] =	dma.local [hbm:s6], s20  }
0x9f: {  	_ =	swait.ge [sflag:s22], s20  }
0xa0: {  	s5 =	ssub.s32 $0x0, s20;
	[sflag:s22] =	ssyncset.done $0x0  }
0xa1: {  	[sflag:s22] =	ssyncadd.s32 s5;
	_ =	sdelay $0x1  }
0xa2: {  	s23 =	simm.s32 $0x1B8B  }
0xa3: {  	_ =	swait.ge [sflag:s23], $0x1  }
0xa4: {  	[sflag:s23] =	ssyncset.done $0x0  }
0xa5: {  	s25 =	simm.s32 $0x1B8E;
	s24 =	sld [smem:$0x3FFE];
	[sflag:s23] =	ssyncadd.s32 $0xFFFFFFFF  }
0xa6: {  	s26 =	simm.s32 $execute0_lowered;
	[smem:$0x3FD2] =	sst s25  }
0xa7: {  	s6 =	sshll.u32 s26, $0x1;
	_ =	strace $0x80000049;
	[dreg:$0x1] =	wrdreg $0xFFFFFFFF  }
0xa8: {  	s28 =	simm.s32 $_size_execute0_lowered;
	s4 =	sadd.s32 s4, s6;
	[dreg:$0x0] =	wrdreg $0x0  }
0xa9: {  	s6 =	sshll.u32 s28, $0x1;
	[dreg:$0x2] =	wrdreg s4  }
0xaa: {  	[dreg:$0x3] =	wrdreg s6  }
0xab: {  	[dreg:$0x4] =	wrdreg $0xC0  }
0xac: {  	_ =	task [dreg:s8], $0x5FFFF  }
0xad: {  	[dreg:$0x1] =	wrdreg $0xFFFFFFFF  }
0xae: {  	[dreg:$0x0] =	wrdreg $0x60  }
0xaf: {  	[dreg:$0x2] =	wrdreg s24  }
0xb0: {  	[dreg:$0x3] =	wrdreg s2  }
0xb1: {  	[dreg:$0x4] =	wrdreg s18  }
0xb2: {  	[dreg:$0x5] =	wrdreg $0x9  }
0xb3: {  	_ =	task.clear_ibuf [dreg:s8], $0x6FFFF;
	_ =	strace $0x90000049  }
0xb4: {  	s29 =	simm.s32 $0x9;
	_ =	strace $0x8000004B  }
0xb5: {  	_ =	swait.ge [sflag:s29], $0x1  }
0xb6: {  	[sflag:s29] =	ssyncadd.s32 $0xFFFFFFFF  }
0xb7: {  	_ =	strace $0x9000004B  }
0xb8: {  	_ =	sfence  }
0xb9: {  	s30 =	sld [smem:$0x0];
	_ =	sdelay $0x2  }
0xba: {  	s31 =	sshll.u32 s1, $0xD;
	s1 =	sshrl.u32 s1, $0x2  }
0xbb: {  	s3 =	sand.u32 $0x4000, s31;
	s1 =	sadd.s32 s1, s30  }
0xbc: {  	s0 =	sor.u32 s3, s0;
	s1 =	sshll.u32 s1, $0x11  }
0xbd: {  	s0 =	sor.u32 s1, s0  }
0xbe: {  	s0 =	sadd.s32 $0x8F2B, s0  }
0xbf: {  	[sflag:s0] =	ssyncadd.remote.s32 $0x1  }
0xc0: {  	_ =	sfence.sel $0xFFFF  }
0xc1: {  	[dreg:$0x0] =	wrdreg $0xFFFFFFFF;
	(pc) =	sbr.abs _section_cstart, $3  }
0xc2: {  	[dreg:$0x1] =	wrdreg $0xFFFFFFFF  }
0xc3: {  	_ =	task.clear_ibuf [dreg:s8], $0x2FFFF;
	_ =	strace $0x9FFFFFFF  }
0xc4: {  	(tm) =	ssettm $0x7FFFFFFF  }
0xc5: {  	_ =	shalt  }
tec
execute0_lowered:
.L_overlay_start_1:
0x0: {  	(tag) =	ssettag $0x1  }
0x1: {  	s4 =	rddreg [dreg:$0x0]  }
0x2: {  	s2 =	rddreg [dreg:$0x1];
	s1 =	srdreg.scid  }
0x3: {  	s0 =	stileid.u32;
	s8 =	rddreg [dreg:$0x2];
	s3 =	simm.s32 $0x0  }
0x4: {  	s16 =	simm.s32 $0x1;
	s17 =	simm.s32 $0x2;
	s10 =	smul.u32 $0x79C00, s0  }
0x5: {  	s18 =	simm.s32 $0x1FF0;
	s19 =	simm.s32 $0x0;
	s30 =	smul.u32 $0x79C0, s0  }
0x6: {  	s9 =	sand.u32 $0x1, s1;
	s1 =	rddreg [dreg:$0x3];
	s15 =	smul.u32 $0xF380, s0  }
0x7: {  	s5 =	sshll.u32 s0, $0x1;
	[smem:$0x7FF] =	sst s3;
	s12 =	smul.u32 $0x3CE00, s9  }
0x8: {  	s4 =	sadd.s32 $0x800, s4;
	s5 =	sor.u32 s9, s5;
	s14 =	smul.u32 $0x3CE0, s9  }
0x9: {  	_ =	strace $0x8000004A;
	s7 =	ssub.s32 $0x2, s9;
	s9 =	smul.u32 $0x79C0, s9  }
0xa: {  	s6 =	smul.u32 $0x3CE00, s5;
	s11 =	sshrl.u32 s7, $0x1;
	s13 =	sshll.u32 s5, $0xF  }
0xb: {  	v1 =	vimm.s32 $0x0;
	s31 =	sadd.s32 s15, s8;
	s15 =	simm.s32 $0x28F0;
	s7 =	ssub.s32 s7, s11  }
0xc: {  	v2 =	vimm.s32 $0x4;
	v3 =	vlaneseq.u32;
	v4 =	vimm.s32 $0x1;
	s11 =	sadd.s32 s14, s30;
	s10 =	sadd.s32 s12, s10;
	s12 =	sadd.s32 s9, s31  }
0xd: {  	v5 =	vimm.s32 $0x2;
	v6 =	vimm.s32 $0x3;
	v0 =	vmov s13;
	s13 =	simm.s32 $0x80;
	s14 =	simm.s32 $0x20F0;
	s6 =	sshrl.u32 s6, $0x3  }
0xe: {  	v7 =	vimm.s32 $0x5;
	v8 =	vimm.s32 $0x6;
	v9 =	vimm.s32 $0x7;
	s7 =	smax.u32 s7, $0x1;
	s11 =	sshll.u32 s11, $0x1;
	s10 =	sshrl.u32 s10, $0x3  }
0xf: {  	v10 =	vimm.s32 $0x8;
	v11 =	vimm.s32 $0x9;
	v12 =	vimm.s32 $0xA;
	s6 =	sadd.s32 s8, s6;
	s11 =	sadd.s32 s8, s11;
	s8 =	sadd.s32 s10, s8  }
0x10: {  	v13 =	vimm.s32 $0xB;
	v14 =	vimm.s32 $0xC;
	v15 =	vimm.s32 $0xD;
	s10 =	sadd.s32 $0x3CE0, s12;
	s12 =	simm.s32 $0x3;
	s5 =	sadd.s32 $0x3C00, s6  }
0x11: {  	v16 =	vimm.s32 $0xE;
	v17 =	vimm.s32 $0xF;
	v3 =	vmul.u32 $0x20, v3;
	s6 =	sadd.s32 $0x78E0, s6;
	s9 =	sadd.s32 $0x100, s11;
	s11 =	sadd.s32 $0x3DE0, s11  }
.LBB2_1:
0x12: {  	[tilespmem:$0x1E0] =	vst v1  }
0x13: {  	[tilespmem:s3], [sflag:$0x3] =	stream.linear.gather [hbm4b:s2+s3], $0x1E7, $0x38;
	[tilespmem:$0x30F0] =	vst v63  }
0x14: {  	_ =	swait.ge [sflag:s12], $0x1E7  }
0x15: {  	[sflag:s12] =	ssyncset.done $0x0  }
0x16: {  	s20 =	simm.s32 $0x0;
	[sflag:s12] =	ssyncadd.s32 $0xFFFFFE19  }
0x17: {  	v18 =	vld [tilespmem:s20+$0x0];
	_ =	sdelay $0x4  }
0x18: {  	v19 =	vshll.u32 v18, $0x4  }
0x19: {  	v18 =	vand.u32 $0x1F, v18;
	v19 =	vand.u32 $0xFFFFFE00, v19  }
0x1a: {  	v18 =	vor.u32 v18, v19  }
0x1b: {  	v18 =	vadd.s32 v0, v18  }
0x1c: {  	v19 =	vperm.xlane v18, v1  }
0x1d: {  	v20 =	vperm.xlane v18, v4  }
0x1e: {  	s20 =	simm.s32 $0x270;
	v21 =	vperm.xlane v18, v5;
	v19 =	vadd.s32 v3, v19  }
0x1f: {  	v22 =	vperm.xlane v18, v6;
	v20 =	vadd.s32 v3, v20;
	[tilespmem:s20+$0xFFFFFF80] =	vst v19  }
0x20: {  	v55 =	vperm.xlane v18, v7;
	v21 =	vadd.s32 v3, v21;
	[tilespmem:s20+$0xFFFFFF90] =	vst v20  }
0x21: {  	v58 =	vperm.xlane v18, v11;
	v54 =	vadd.s32 v3, v22;
	[tilespmem:s20+$0xFFFFFFA0] =	vst v21  }
0x22: {  	v56 =	vperm.xlane v18, v8;
	v22 =	vadd.s32 v3, v55;
	[tilespmem:s20+$0xFFFFFFB0] =	vst v54  }
0x23: {  	v60 =	vadd.s32 v3, v58;
	v19 =	vperm.xlane v18, v2;
	[tilespmem:s20+$0xFFFFFFD0] =	vst v22  }
0x24: {  	v57 =	vperm.xlane v18, v9;
	v21 =	vadd.s32 v3, v56;
	[tilespmem:s20+$0x10] =	vst v60  }
0x25: {  	v61 =	vperm.xlane v18, v13;
	[tilespmem:s20+$0xFFFFFFE0] =	vst v21;
	v19 =	vadd.s32 v3, v19  }
0x26: {  	v20 =	vadd.s32 v3, v57;
	[tilespmem:s20+$0xFFFFFFC0] =	vst v19;
	v19 =	vperm.xlane v18, v10  }
0x27: {  	v59 =	vperm.xlane v18, v12;
	v22 =	vadd.s32 v3, v61;
	[tilespmem:s20+$0xFFFFFFF0] =	vst v20  }
0x28: {  	v62 =	vperm.xlane v18, v14;
	[tilespmem:s20+$0x30] =	vst v22;
	v19 =	vadd.s32 v3, v19  }
0x29: {  	v63 =	vperm.xlane v18, v15;
	[tilespmem:s20+$0x0] =	vst v19;
	v19 =	vadd.s32 v3, v59  }
0x2a: {  	v21 =	vadd.s32 v3, v62;
	[tilespmem:s20+$0x20] =	vst v19;
	v19 =	vperm.xlane v18, v16  }
0x2b: {  	v20 =	vadd.s32 v3, v63;
	[tilespmem:s20+$0x40] =	vst v21;
	v18 =	vperm.xlane v18, v17  }
0x2c: {  	[tilespmem:s20+$0x50] =	vst v20;
	v19 =	vadd.s32 v3, v19  }
0x2d: {  	v18 =	vadd.s32 v3, v18;
	[tilespmem:s20+$0x60] =	vst v19  }
0x2e: {  	s22 =	simm.s32 $0x10;
	s21 =	simm.s32 $0x80;
	[tilespmem:s20+$0x70] =	vst v18  }
.LBB2_2:
0x2f: {  	p0 =	sne.s32 s21, $0x780;
	v18 =	vld [tilespmem:s22+$0x0];
	_ =	sdelay $0x4  }
0x30: {  	v19 =	vshll.u32 v18, $0x4  }
0x31: {  	v18 =	vand.u32 $0x1F, v18;
	v19 =	vand.u32 $0xFFFFFE00, v19  }
0x32: {  	v18 =	vor.u32 v18, v19  }
0x33: {  	v18 =	vadd.s32 v0, v18  }
0x34: {  	v19 =	vperm.xlane v18, v1;
	v20 =	vperm.xlane v18, v4  }
0x35: {  	v21 =	vperm.xlane v18, v5;
	v22 =	vperm.xlane v18, v6  }
0x36: {  	s20 =	sadd.s32 $0x100, s20;
	v23 =	vperm.xlane v18, v2;
	v19 =	vadd.s32 v3, v19;
	v20 =	vadd.s32 v3, v20  }
0x37: {  	[tilespmem:s20+$0xFFFFFF80] =	vst v19;
	v19 =	vadd.s32 v3, v21;
	v21 =	vadd.s32 v3, v22;
	v22 =	vperm.xlane v18, v7  }
0x38: {  	v24 =	vperm.xlane v18, v9;
	[tilespmem:s20+$0xFFFFFF90] =	vst v20;
	v20 =	vadd.s32 v3, v23;
	v23 =	vperm.xlane v18, v8  }
0x39: {  	v25 =	vperm.xlane v18, v11;
	[tilespmem:s20+$0xFFFFFFA0] =	vst v19;
	v19 =	vadd.s32 v3, v22;
	v22 =	vperm.xlane v18, v10  }
0x3a: {  	[tilespmem:s20+$0xFFFFFFB0] =	vst v21;
	v21 =	vadd.s32 v3, v23;
	v23 =	vadd.s32 v3, v24;
	v24 =	vperm.xlane v18, v12  }
0x3b: {  	[tilespmem:s20+$0xFFFFFFC0] =	vst v20;
	v20 =	vadd.s32 v3, v22;
	v22 =	vadd.s32 v3, v25;
	v25 =	vperm.xlane v18, v13  }
0x3c: {  	v26 =	vperm.xlane v18, v15;
	[tilespmem:s20+$0xFFFFFFD0] =	vst v19;
	v19 =	vadd.s32 v3, v24;
	v24 =	vperm.xlane v18, v14  }
0x3d: {  	[tilespmem:s20+$0xFFFFFFE0] =	vst v21;
	v21 =	vadd.s32 v3, v25;
	v25 =	vperm.xlane v18, v16;
	v18 =	vperm.xlane v18, v17  }
0x3e: {  	[tilespmem:s20+$0xFFFFFFF0] =	vst v23;
	v23 =	vadd.s32 v3, v24;
	v24 =	vadd.s32 v3, v26  }
0x3f: {  	[tilespmem:s20+$0x0] =	vst v20;
	v20 =	vadd.s32 v3, v25;
	v18 =	vadd.s32 v3, v18  }
0x40: {  	[tilespmem:s20+$0x10] =	vst v22  }
0x41: {  	[tilespmem:s20+$0x20] =	vst v19  }
.Ltmp0:
0x42: {  	[tilespmem:s20+$0x30] =	vst v21;
	(pc) =	sbr.rel @p0 .LBB2_2-.Ltmp0, $4  }
0x43: {  	[tilespmem:s20+$0x40] =	vst v23  }
0x44: {  	[tilespmem:s20+$0x50] =	vst v24  }
0x45: {  	[tilespmem:s20+$0x60] =	vst v20  }
0x46: {  	s22 =	sshra.s32 s21, $0x2;
	s21 =	sadd.s32 $0x40, s21;
	[tilespmem:s20+$0x70] =	vst v18  }
0x47: {  	v18 =	vld [tilespmem:s22+$0x0];
	_ =	sdelay $0x4  }
0x48: {  	v19 =	vshll.u32 v18, $0x4  }
0x49: {  	v18 =	vand.u32 $0x1F, v18;
	v19 =	vand.u32 $0xFFFFFE00, v19  }
0x4a: {  	v18 =	vor.u32 v18, v19  }
0x4b: {  	v18 =	vadd.s32 v0, v18  }
0x4c: {  	v19 =	vperm.xlane v18, v1  }
0x4d: {  	v20 =	vperm.xlane v18, v4  }
0x4e: {  	s20 =	sadd.s32 $0x100, s20;
	v21 =	vperm.xlane v18, v5;
	v19 =	vadd.s32 v3, v19  }
0x4f: {  	v22 =	vperm.xlane v18, v6;
	v20 =	vadd.s32 v3, v20;
	[tilespmem:s20+$0xFFFFFF80] =	vst v19  }
0x50: {  	v55 =	vperm.xlane v18, v7;
	v21 =	vadd.s32 v3, v21;
	[tilespmem:s20+$0xFFFFFF90] =	vst v20  }
0x51: {  	v58 =	vperm.xlane v18, v11;
	v54 =	vadd.s32 v3, v22;
	[tilespmem:s20+$0xFFFFFFA0] =	vst v21  }
0x52: {  	v56 =	vperm.xlane v18, v8;
	v22 =	vadd.s32 v3, v55;
	[tilespmem:s20+$0xFFFFFFB0] =	vst v54  }
0x53: {  	v60 =	vadd.s32 v3, v58;
	v19 =	vperm.xlane v18, v2;
	[tilespmem:s20+$0xFFFFFFD0] =	vst v22  }
0x54: {  	v57 =	vperm.xlane v18, v9;
	v21 =	vadd.s32 v3, v56;
	[tilespmem:s20+$0x10] =	vst v60  }
0x55: {  	v61 =	vperm.xlane v18, v13;
	[tilespmem:s20+$0xFFFFFFE0] =	vst v21;
	v19 =	vadd.s32 v3, v19  }
0x56: {  	v20 =	vadd.s32 v3, v57;
	[tilespmem:s20+$0xFFFFFFC0] =	vst v19;
	v19 =	vperm.xlane v18, v10  }
0x57: {  	v59 =	vperm.xlane v18, v12;
	v22 =	vadd.s32 v3, v61;
	[tilespmem:s20+$0xFFFFFFF0] =	vst v20  }
0x58: {  	v62 =	vperm.xlane v18, v14;
	[tilespmem:s20+$0x30] =	vst v22;
	v19 =	vadd.s32 v3, v19  }
0x59: {  	v63 =	vperm.xlane v18, v15;
	[tilespmem:s20+$0x0] =	vst v19;
	v19 =	vadd.s32 v3, v59  }
0x5a: {  	v21 =	vadd.s32 v3, v62;
	[tilespmem:s20+$0x20] =	vst v19;
	v19 =	vperm.xlane v18, v16  }
0x5b: {  	v20 =	vadd.s32 v3, v63;
	[tilespmem:s20+$0x40] =	vst v21;
	v18 =	vperm.xlane v18, v17  }
0x5c: {  	[tilespmem:s20+$0x50] =	vst v20;
	v19 =	vadd.s32 v3, v19  }
0x5d: {  	v18 =	vadd.s32 v3, v18;
	[tilespmem:s20+$0x60] =	vst v19  }
0x5e: {  	[tilespmem:s20+$0x70] =	vst v18;
	s20 =	simm.s32 $0x1F0  }
0x5f: {  	[tilespmem:s14], [sflag:$0x1] =	stream.indirect.gather [hbm4b:s4+s13], $0x10, s20, s13, $0xb8;
	[tilespmem:$0x30F0] =	vst v63  }
0x60: {  	s21 =	simm.s32 $0x270  }
0x61: {  	[tilespmem:s15], [sflag:$0x2] =	stream.indirect.gather [hbm4b:s4+s13], $0x10, s21, s13, $0xb8;
	[tilespmem:$0x30F0] =	vst v63  }
0x62: {  	_ =	swait.ge [sflag:s16], $0x800  }
0x63: {  	[sflag:s16] =	ssyncset.done $0x0  }
0x64: {  	s30 =	sadd.s32 $0x0, s8;
	[sflag:s16] =	ssyncadd.s32 $0xFFFFF800  }
0x65: {  	[hbm4b:s30+s3] =	stream.linear.scatter [tilespmem:s14], [sflag:$0x3], $0x800, $0x38;
	[tilespmem:$0x30F0] =	vst v63  }
0x66: {  	_ =	swait.ge [sflag:s12], $0x800  }
0x67: {  	[sflag:s12] =	ssyncset.done $0x0  }
0x68: {  	[sflag:s12] =	ssyncadd.s32 $0xFFFFF800  }
0x69: {  	_ =	swait.ge [sflag:s17], $0x800  }
0x6a: {  	[sflag:s17] =	ssyncset.done $0x0  }
0x6b: {  	s31 =	sadd.s32 $0x0, s9;
	[sflag:s17] =	ssyncadd.s32 $0xFFFFF800  }
0x6c: {  	[hbm4b:s31+s3] =	stream.linear.scatter [tilespmem:s15], [sflag:$0x3], $0x800, $0x38;
	[tilespmem:$0x30F0] =	vst v63  }
0x6d: {  	_ =	swait.ge [sflag:s12], $0x800  }
0x6e: {  	s21 =	simm.s32 $0x200;
	[sflag:s12] =	ssyncset.done $0x0  }
.LBB2_4:
0x6f: {  	p0 =	sne.s32 s21, $0x3A00;
	[sflag:s12] =	ssyncadd.s32 $0xFFFFF800;
	s20 =	sadd.s32 $0x100, s20  }
0x70: {  	[tilespmem:s14], [sflag:$0x1] =	stream.indirect.gather [hbm4b:s4+s13], $0x10, s20, s13, $0xb8;
	[tilespmem:$0x30F0] =	vst v63  }
0x71: {  	s23 =	smov.u32 s21;
	s21 =	sadd.s32 $0x200, s21;
	s22 =	sadd.s32 $0x80, s20  }
0x72: {  	[tilespmem:s15], [sflag:$0x2] =	stream.indirect.gather [hbm4b:s4+s13], $0x10, s22, s13, $0xb8;
	[tilespmem:$0x30F0] =	vst v63  }
0x73: {  	_ =	swait.ge [sflag:s16], $0x800  }
0x74: {  	[sflag:s16] =	ssyncset.done $0x0  }
0x75: {  	s22 =	sadd.s32 s23, s8;
	[sflag:s16] =	ssyncadd.s32 $0xFFFFF800  }
0x76: {  	[hbm4b:s22+s3] =	stream.linear.scatter [tilespmem:s14], [sflag:$0x3], $0x800, $0x38;
	[tilespmem:$0x30F0] =	vst v63  }
0x77: {  	_ =	swait.ge [sflag:s12], $0x800  }
0x78: {  	[sflag:s12] =	ssyncset.done $0x0  }
0x79: {  	[sflag:s12] =	ssyncadd.s32 $0xFFFFF800  }
0x7a: {  	_ =	swait.ge [sflag:s17], $0x800  }
.Ltmp1:
0x7b: {  	[sflag:s17] =	ssyncset.done $0x0;
	(pc) =	sbr.rel @p0 .LBB2_4-.Ltmp1, $4  }
0x7c: {  	s22 =	sadd.s32 s23, s9;
	[sflag:s17] =	ssyncadd.s32 $0xFFFFF800  }
0x7d: {  	[hbm4b:s22+s3] =	stream.linear.scatter [tilespmem:s15], [sflag:$0x3], $0x800, $0x38;
	[tilespmem:$0x30F0] =	vst v63  }
0x7e: {  	_ =	swait.ge [sflag:s12], $0x800  }
0x7f: {  	[sflag:s12] =	ssyncset.done $0x0  }
0x80: {  	[sflag:s12] =	ssyncadd.s32 $0xFFFFF800  }
0x81: {  	[tilespmem:s14], [sflag:$0x1] =	stream.indirect.gather [hbm4b:s4+s13], $0x10, s18, s13, $0xb8;
	[tilespmem:$0x30F0] =	vst v63  }
0x82: {  	_ =	swait.ge [sflag:s16], $0x800  }
0x83: {  	[sflag:s16] =	ssyncset.done $0x0  }
0x84: {  	s20 =	simm.s32 $0x0;
	[sflag:s16] =	ssyncadd.s32 $0xFFFFF800  }
0x85: {  	[hbm4b:s5+s20] =	stream.linear.scatter [tilespmem:s14], [sflag:$0x3], $0x700, $0x38;
	[tilespmem:$0x30F0] =	vst v63  }
0x86: {  	_ =	swait.ge [sflag:s12], $0x700  }
0x87: {  	[sflag:s12] =	ssyncset.done $0x0  }
0x88: {  	s20 =	simm.s32 $0x0;
	[sflag:s12] =	ssyncadd.s32 $0xFFFFF900  }
0x89: {  	v20 =	vld [tilespmem:s20+$0x1F0]  }
0x8a: {  	v22 =	vld [tilespmem:s20+$0x200]  }
0x8b: {  	v21 =	vld [tilespmem:s20+$0x210]  }
0x8c: {  	v19 =	vld [tilespmem:s20+$0x220]  }
0x8d: {  	v18 =	vld [tilespmem:s20+$0x230]  }
0x8e: {  	v23 =	vadd.s32 $0x4000, v20;
	v20 =	vld [tilespmem:s20+$0x240]  }
0x8f: {  	s21 =	simm.s32 $0x200;
	[tilespmem:s20+$0x1F0] =	vst v23;
	v23 =	vadd.s32 $0x4000, v22;
	v22 =	vld [tilespmem:s20+$0x250]  }
.LBB2_6:
0x90: {  	s22 =	sshra.s32 s21, $0x2;
	p0 =	sne.s32 s21, $0x7A00;
	[tilespmem:s20+$0x200] =	vst v23;
	v21 =	vadd.s32 $0x4000, v21;
	v23 =	vld [tilespmem:s20+$0x260]  }
0x91: {  	v24 =	vld [tilespmem:s22+$0x1F0];
	[tilespmem:s20+$0x210] =	vst v21;
	v19 =	vadd.s32 $0x4000, v19  }
0x92: {  	v25 =	vld [tilespmem:s22+$0x200];
	[tilespmem:s20+$0x220] =	vst v19;
	v18 =	vadd.s32 $0x4000, v18  }
.Ltmp2:
0x93: {  	v21 =	vld [tilespmem:s22+$0x210];
	[tilespmem:s20+$0x230] =	vst v18;
	v18 =	vadd.s32 $0x4000, v20;
	(pc) =	sbr.rel @p0 .LBB2_6-.Ltmp2, $4  }
0x94: {  	v19 =	vld [tilespmem:s22+$0x220];
	[tilespmem:s20+$0x240] =	vst v18;
	v20 =	vadd.s32 $0x4000, v22  }
0x95: {  	v18 =	vld [tilespmem:s22+$0x230];
	[tilespmem:s20+$0x250] =	vst v20;
	v22 =	vadd.s32 $0x4000, v23  }
0x96: {  	v23 =	vadd.s32 $0x4000, v24;
	v20 =	vld [tilespmem:s22+$0x240];
	[tilespmem:s20+$0x260] =	vst v22;
	s20 =	smov.u32 s22  }
0x97: {  	s21 =	sadd.s32 $0x200, s21;
	[tilespmem:s20+$0x1F0] =	vst v23;
	v23 =	vadd.s32 $0x4000, v25;
	v22 =	vld [tilespmem:s20+$0x250]  }
0x98: {  	[tilespmem:s20+$0x200] =	vst v23;
	v21 =	vadd.s32 $0x4000, v21;
	v63 =	vld [tilespmem:s20+$0x260]  }
0x99: {  	[tilespmem:s20+$0x210] =	vst v21;
	v19 =	vadd.s32 $0x4000, v19  }
0x9a: {  	[tilespmem:s20+$0x220] =	vst v19;
	v18 =	vadd.s32 $0x4000, v18  }
0x9b: {  	[tilespmem:s20+$0x230] =	vst v18;
	v18 =	vadd.s32 $0x4000, v20  }
0x9c: {  	[tilespmem:s20+$0x240] =	vst v18;
	v18 =	vadd.s32 $0x4000, v22  }
0x9d: {  	[tilespmem:s20+$0x250] =	vst v18;
	v18 =	vadd.s32 $0x4000, v63  }
0x9e: {  	[tilespmem:s20+$0x260] =	vst v18;
	s20 =	simm.s32 $0x1F0  }
0x9f: {  	[tilespmem:s14], [sflag:$0x1] =	stream.indirect.gather [hbm4b:s4+s13], $0x10, s20, s13, $0xb8;
	[tilespmem:$0x30F0] =	vst v63  }
0xa0: {  	s21 =	simm.s32 $0x270  }
0xa1: {  	[tilespmem:s15], [sflag:$0x2] =	stream.indirect.gather [hbm4b:s4+s13], $0x10, s21, s13, $0xb8;
	[tilespmem:$0x30F0] =	vst v63  }
0xa2: {  	_ =	swait.ge [sflag:s16], $0x800  }
0xa3: {  	[sflag:s16] =	ssyncset.done $0x0  }
0xa4: {  	s30 =	sadd.s32 $0x0, s10;
	[sflag:s16] =	ssyncadd.s32 $0xFFFFF800  }
0xa5: {  	[hbm4b:s30+s3] =	stream.linear.scatter [tilespmem:s14], [sflag:$0x3], $0x800, $0x38;
	[tilespmem:$0x30F0] =	vst v63  }
0xa6: {  	_ =	swait.ge [sflag:s12], $0x800  }
0xa7: {  	[sflag:s12] =	ssyncset.done $0x0  }
0xa8: {  	[sflag:s12] =	ssyncadd.s32 $0xFFFFF800  }
0xa9: {  	_ =	swait.ge [sflag:s17], $0x800  }
0xaa: {  	[sflag:s17] =	ssyncset.done $0x0  }
0xab: {  	s31 =	sadd.s32 $0x0, s11;
	[sflag:s17] =	ssyncadd.s32 $0xFFFFF800  }
0xac: {  	[hbm4b:s31+s3] =	stream.linear.scatter [tilespmem:s15], [sflag:$0x3], $0x800, $0x38;
	[tilespmem:$0x30F0] =	vst v63  }
0xad: {  	_ =	swait.ge [sflag:s12], $0x800  }
0xae: {  	s21 =	simm.s32 $0x200;
	[sflag:s12] =	ssyncset.done $0x0  }
.LBB2_8:
0xaf: {  	p0 =	sne.s32 s21, $0x3A00;
	[sflag:s12] =	ssyncadd.s32 $0xFFFFF800;
	s20 =	sadd.s32 $0x100, s20  }
0xb0: {  	[tilespmem:s14], [sflag:$0x1] =	stream.indirect.gather [hbm4b:s4+s13], $0x10, s20, s13, $0xb8;
	[tilespmem:$0x30F0] =	vst v63  }
0xb1: {  	s23 =	smov.u32 s21;
	s21 =	sadd.s32 $0x200, s21;
	s22 =	sadd.s32 $0x80, s20  }
0xb2: {  	[tilespmem:s15], [sflag:$0x2] =	stream.indirect.gather [hbm4b:s4+s13], $0x10, s22, s13, $0xb8;
	[tilespmem:$0x30F0] =	vst v63  }
0xb3: {  	_ =	swait.ge [sflag:s16], $0x800  }
0xb4: {  	[sflag:s16] =	ssyncset.done $0x0  }
0xb5: {  	s22 =	sadd.s32 s23, s10;
	[sflag:s16] =	ssyncadd.s32 $0xFFFFF800  }
0xb6: {  	[hbm4b:s22+s3] =	stream.linear.scatter [tilespmem:s14], [sflag:$0x3], $0x800, $0x38;
	[tilespmem:$0x30F0] =	vst v63  }
0xb7: {  	_ =	swait.ge [sflag:s12], $0x800  }
0xb8: {  	[sflag:s12] =	ssyncset.done $0x0  }
0xb9: {  	[sflag:s12] =	ssyncadd.s32 $0xFFFFF800  }
0xba: {  	_ =	swait.ge [sflag:s17], $0x800  }
.Ltmp3:
0xbb: {  	[sflag:s17] =	ssyncset.done $0x0;
	(pc) =	sbr.rel @p0 .LBB2_8-.Ltmp3, $4  }
0xbc: {  	s22 =	sadd.s32 s23, s11;
	[sflag:s17] =	ssyncadd.s32 $0xFFFFF800  }
0xbd: {  	[hbm4b:s22+s3] =	stream.linear.scatter [tilespmem:s15], [sflag:$0x3], $0x800, $0x38;
	[tilespmem:$0x30F0] =	vst v63  }
0xbe: {  	_ =	swait.ge [sflag:s12], $0x800  }
0xbf: {  	[sflag:s12] =	ssyncset.done $0x0  }
0xc0: {  	[sflag:s12] =	ssyncadd.s32 $0xFFFFF800  }
0xc1: {  	[tilespmem:s14], [sflag:$0x1] =	stream.indirect.gather [hbm4b:s4+s13], $0x10, s18, s13, $0xb8;
	[tilespmem:$0x30F0] =	vst v63  }
0xc2: {  	s19 =	sadd.s32 $0x1, s19;
	_ =	swait.ge [sflag:s16], $0x800  }
0xc3: {  	p0 =	sne.s32 s19, s7;
	[sflag:s16] =	ssyncset.done $0x0  }
.Ltmp4:
0xc4: {  	[sflag:s16] =	ssyncadd.s32 $0xFFFFF800;
	(pc) =	sbr.rel @p0 .LBB2_1-.Ltmp4, $4  }
0xc5: {  	[hbm4b:s6+s3] =	stream.linear.scatter [tilespmem:s14], [sflag:$0x3], $0x700, $0x38;
	[tilespmem:$0x30F0] =	vst v63  }
0xc6: {  	_ =	swait.ge [sflag:s12], $0x700  }
0xc7: {  	[sflag:s12] =	ssyncset.done $0x0  }
0xc8: {  	[sflag:s12] =	ssyncadd.s32 $0xFFFFF900  }
0xc9: {  	_ =	sfence.sel $0x180000  }
0xca: {  	[bflag:$0x0] =	sbarrier.arrive $0xFFFF  }
0xcb: {  	p0 =	sne.s32 s0, $0x0;
	_ =	strace $0x9000004A  }
0xcc: {  	s0 =	sadd.s32 @!p0 $0x100000, s1;
	[bflag:$0x2] =	sbarrier.arrive $0xFFFF  }
0xcd: {  	[sflag:s0] =	ssyncadd.tile.s32 @!p0 $0x1;
	_ =	shalt  }
.Lfunc_end2:
_tile_overlayer_lowered:
.L_overlay_start_2:
0xce: {  	(tag) =	ssettag $0x2  }
0xcf: {  	s0 =	rddreg [dreg:$0x0];
	s2 =	stileid.u32  }
0xd0: {  	s1 =	rddreg [dreg:$0x1];
	p0 =	sne.s32 s2, $0x0  }
0xd1: {  	s3 =	rddreg [dreg:$0x2];
	[bflag:$0x3] =	sbarrier.arrive $0xFFFF;
	s2 =	simm.s32 @!p0 $0x1C03  }
0xd2: {  	[timem:s3], [sflag:s2] =	dma.local @!p0 [hbm:s0], s1  }
0xd3: {  	s0 =	simm.s32 @!p0 $0x3  }
0xd4: {  	_ =	swait.ge @!p0 [sflag:s0], s1  }
0xd5: {  	s1 =	ssub.s32 @!p0 $0x0, s1;
	[sflag:s0] =	ssyncset.done @!p0 $0x0  }
0xd6: {  	[sflag:s0] =	ssyncadd.s32 @!p0 s1  }
0xd7: {  	[bflag:$0x3] =	sbarrier.arrive $0xFFFF  }
0xd8: {  	_ =	shalt  }

// kernel: sparse-core-data-format-call.cloned.1.call-start
scs
called_computation_lowered:
.L_overlay_start_0:
0x0: {  	s2 =	sld [smem:$0x3FD9]  }
0x1: {  	s3 =	sld [smem:$0x3FFE];
	_ =	sdelay $0x1  }
0x2: {  	s1 =	srdreg.scid  }
0x3: {  	s0 =	sand.u32 $0x1, s1  }
0x4: {  	s18 =	sshll.u32 s0, $0xA;
	s2 =	sadd.s32 s3, s2  }
0x5: {  	s2 =	sadd.s32 s2, s18  }
0x6: {  	[smem:$0x3FC6] =	sst s2  }
0x7: {  	_ = 	snop  }
0x8: {  	s2 =	sld [smem:$0x3FC9];
	(tm) =	ssettm $0x1  }
0x9: {  	s19 =	sld [smem:$0x3FFB];
	_ =	sdelay $0x3  }
0xa: {  	_ =	strace s19  }
0xb: {  	s3 =	sld [smem:$0x3FFC];
	_ =	sdelay $0x3  }
0xc: {  	_ =	strace s3  }
0xd: {  	s3 =	sld [smem:$0x3FFD];
	_ =	sdelay $0x3  }
0xe: {  	_ =	strace s3  }
0xf: {  	_ =	strace $0x8FFFFFFF  }
0x10: {  	s20 =	sld [smem:$0x3FDB];
	_ =	sdelay $0x1  }
0x11: {  	s4 =	simm.s32 $_scs_section_size  }
0x12: {  	s5 =	simm.s32 $_size__tile_overlayer_lowered;
	s6 =	simm.s32 $_tile_overlayer_lowered  }
0x13: {  	s23 =	simm.s32 $0x1BFF;
	s22 =	sshll.u32 s6, $0x1;
	s3 =	sadd.s32 s4, s20  }
0x14: {  	s7 =	simm.s32 $0x0;
	s21 =	sshll.u32 s5, $0x1;
	s5 =	sadd.s32 s22, s3  }
0x15: {  	[timem:s7], [sflag:s23] =	dma.local [hbm:s5], s21  }
0x16: {  	_ =	swait.ge [sflag:s23], s21  }
0x17: {  	s4 =	ssub.s32 $0x0, s21;
	[sflag:s23] =	ssyncset.done $0x0  }
0x18: {  	[sflag:s23] =	ssyncadd.s32 s4;
	_ =	sdelay $0x1  }
0x19: {  	s24 =	simm.s32 $0x1B8B  }
0x1a: {  	_ =	swait.ge [sflag:s24], $0x1  }
0x1b: {  	[sflag:s24] =	ssyncset.done $0x0  }
0x1c: {  	s26 =	simm.s32 $0x1B8E;
	s25 =	sld [smem:$0x3FFE];
	[sflag:s24] =	ssyncadd.s32 $0xFFFFFFFF  }
0x1d: {  	s27 =	simm.s32 $execute0_lowered;
	[smem:$0x3FD2] =	sst s26  }
0x1e: {  	s5 =	sshll.u32 s27, $0x1;
	_ =	strace $0x80000046;
	[dreg:$0x1] =	wrdreg $0xFFFFFFFF  }
0x1f: {  	s28 =	simm.s32 $_size_execute0_lowered;
	s3 =	sadd.s32 s3, s5;
	[dreg:$0x0] =	wrdreg $0x0  }
0x20: {  	s5 =	sshll.u32 s28, $0x1;
	[dreg:$0x2] =	wrdreg s3  }
0x21: {  	[dreg:$0x3] =	wrdreg s5  }
0x22: {  	[dreg:$0x4] =	wrdreg $0xC0  }
0x23: {  	_ =	task [dreg:s7], $0x5FFFF  }
0x24: {  	[dreg:$0x1] =	wrdreg $0xFFFFFFFF  }
0x25: {  	[dreg:$0x0] =	wrdreg $0x60  }
0x26: {  	[dreg:$0x2] =	wrdreg s2  }
0x27: {  	[dreg:$0x3] =	wrdreg s25  }
0x28: {  	[dreg:$0x4] =	wrdreg $0x9  }
0x29: {  	_ =	task.clear_ibuf [dreg:s7], $0x5FFFF;
	_ =	strace $0x90000046  }
0x2a: {  	s29 =	simm.s32 $0x9;
	_ =	strace $0x80000048  }
0x2b: {  	_ =	swait.ge [sflag:s29], $0x1  }
0x2c: {  	[sflag:s29] =	ssyncadd.s32 $0xFFFFFFFF  }
0x2d: {  	_ =	strace $0x90000048  }
0x2e: {  	_ =	sfence  }
0x2f: {  	s30 =	sld [smem:$0x0];
	_ =	sdelay $0x2  }
0x30: {  	s31 =	sshll.u32 s1, $0xD;
	s1 =	sshrl.u32 s1, $0x2  }
0x31: {  	s3 =	sand.u32 $0x4000, s31;
	s1 =	sadd.s32 s1, s30  }
0x32: {  	s0 =	sor.u32 s3, s0;
	s1 =	sshll.u32 s1, $0x11  }
0x33: {  	s0 =	sor.u32 s1, s0  }
0x34: {  	s0 =	sadd.s32 $0x8F2B, s0  }
0x35: {  	[sflag:s0] =	ssyncadd.remote.s32 $0x1  }
0x36: {  	_ =	sfence.sel $0xFFFF  }
0x37: {  	[dreg:$0x0] =	wrdreg $0xFFFFFFFF;
	(pc) =	sbr.abs _section_cstart, $3  }
0x38: {  	[dreg:$0x1] =	wrdreg $0xFFFFFFFF  }
0x39: {  	_ =	task.clear_ibuf [dreg:s7], $0x2FFFF;
	_ =	strace $0x9FFFFFFF  }
0x3a: {  	(tm) =	ssettm $0x7FFFFFFF  }
0x3b: {  	_ =	shalt  }
tec
execute0_lowered:
.L_overlay_start_1:
0x0: {  	(tag) =	ssettag $0x1  }
0x1: {  	s0 =	srdreg.scid  }
0x2: {  	s1 =	sshll.u32 s0, $0x4  }
0x3: {  	s2 =	rddreg [dreg:$0x0];
	s0 =	stileid.u32;
	s1 =	sand.u32 $0x10, s1  }
0x4: {  	s4 =	rddreg [dreg:$0x1];
	s7 =	simm.s32 $0x1;
	s1 =	sor.u32 s0, s1  }
0x5: {  	s8 =	simm.s32 $0x2;
	s9 =	simm.s32 $0x0;
	s3 =	sshll.u32 s1, $0x2  }
0x6: {  	s12 =	simm.s32 $0x0;
	s11 =	simm.s32 $0x0;
	s6 =	ssub.s32 $0x1000, s3  }
.Ltmp0:
0x7: {  	s4 =	sadd.s32 $0x800, s4;
	s5 =	sand.u32 $0x7C, s6;
	(pc) =	sbr.rel .LBB1_1-.Ltmp0, $4  }
0x8: {  	s1 =	rddreg [dreg:$0x2];
	_ =	strace $0x80000047;
	p0 =	sne.s32 s5, $0x0  }
0x9: {  	s6 =	sshrl.u32 s6, $0x7;
	s5 =	simm.s32 $0x1;
	s7 =	simm.s32 @!p0 $0x0  }
0xa: {  	s10 =	smov.u32 s3;
	[sflag:s5] =	ssyncpa.u1 $0x0;
	s6 =	sadd.s32 s7, s6  }
0xb: {  	[sflag:s8] =	ssyncpa.u1 $0x0;
	s8 =	simm.s32 $0x0;
	s7 =	sadd.s32 $0x1, s6  }
.LBB1_9:
0xc: {  	s14 =	sadd.s32 $0x80, s10  }
0xd: {  	p1 =	sgt.s32 s14, $0xFFF  }
0xe: {  	s14 =	smov.u32 @p1 s3;
	p1 =	sne.s32 s11, s7  }
.Ltmp1:
0xf: {  	p0 =	slt.u32 s11, $0x2;
	(pc) =	sbr.rel @!p1 .LBB1_10-.Ltmp1, $4  }
0x10: {  	s13 =	simm.s32 @!p0 $0x2  }
0x11: {  	s15 =	sadd.s32 $0x1, s11;
	_ =	swait.ge @!p0 [sflag:s13], $0x4000  }
0x12: {  	s12 =	smov.u32 s10;
	s9 =	sadd.s32 $0x4000, s9;
	[sflag:s13] =	ssyncset.done @!p0 $0x0  }
0x13: {  	s11 =	smov.u32 s15;
	s10 =	smov.u32 s14;
	[sflag:s13] =	ssyncadd.s32 @!p0 $0xFFFFC000  }
.LBB1_1:
0x14: {  	p0 =	sge.u32 s11, s6  }
0x15: {  	s13 =	sxor.u32 @!p0 $0xFFFFFFFF, s11  }
0x16: {  	s31 =	sadd.s32 $0xFFFFFFFF, s11;
	s14 =	sshll.u32 @!p0 s10, $0x9;
	s13 =	sshll.u32 @!p0 s13, $0xE  }
0x17: {  	s15 =	simm.s32 @!p0 $0x0;
	s14 =	sadd.s32 @!p0 s2, s14;
	s13 =	sand.u32 @!p0 $0x4000, s13  }
0x18: {  	[tilespmem:s13], [sflag:$0x1] =	stream.linear.gather @!p0 [hbm4b:s14+s15], $0x4000, $0x38;
	[tilespmem:$0x10000] =	vst v63  }
0x19: {  	p0 =	sge.u32 s31, s6  }
.Ltmp2:
0x1a: {  	_ = 	snop;
	(pc) =	sbr.rel @p0 .LBB1_9-.Ltmp2, $1  }
0x1b: {  	_ =	sdelay $0x3  }
0x1c: {  	s14 =	sand.u32 $0x4000, s9  }
0x1d: {  	_ =	swait.ge [sflag:s5], $0x4000;
	s15 =	sshll.u32 s11, $0xE;
	s16 =	simm.s32 $0x0  }
0x1e: {  	s13 =	sor.u32 $0x40, s14;
	[sflag:s5] =	ssyncset.done $0x0;
	s15 =	sand.u32 $0x4000, s15  }
0x1f: {  	s14 =	sor.u32 $0x8040, s14;
	[sflag:s5] =	ssyncadd.s32 $0xFFFFC000;
	s15 =	sor.u32 $0x8000, s15  }
.LBB1_3:
0x20: {  	s17 =	smov.u32 s14;
	s18 =	smov.u32 s13;
	s19 =	simm.s32 $0x0  }
.LBB1_4:
0x21: {  	v0 =	vmov s17;
	v2 =	vld [tilespmem:s18+$0x30]  }
0x22: {  	v4 =	vld [tilespmem:s18+$0xFFFFFFD0]  }
0x23: {  	v6 =	vld [tilespmem:s18+$0xFFFFFFE0]  }
0x24: {  	v7 =	vld [tilespmem:s18+$0xFFFFFFF0]  }
0x25: {  	s20 =	simm.s32 $0x0;
	v1 =	vld [tilespmem:s18+$0x0]  }
0x26: {  	v3 =	vld [tilespmem:s18+$0x10];
	[tilespmem:v0+s20+$0x30 ss:$0x1] =	vst.idx.msk $0xffff, v2  }
0x27: {  	v5 =	vld [tilespmem:s18+$0x20];
	[tilespmem:v0+s20+$0xFFFFFFD0 ss:$0x1] =	vst.idx.msk $0xffff, v4  }
0x28: {  	s21 =	sadd.s32 $0x80, s18;
	v2 =	vld [tilespmem:s18+$0xFFFFFFC0];
	[tilespmem:v0+s20+$0xFFFFFFE0 ss:$0x1] =	vst.idx.msk $0xffff, v6  }
0x29: {  	s22 =	simm.s32 $0x800;
	s23 =	simm.s32 $0x1000;
	v4 =	vld [tilespmem:s21+$0x30];
	[tilespmem:v0+s20+$0xFFFFFFF0 ss:$0x1] =	vst.idx.msk $0xffff, v7  }
.LBB1_5:
0x2a: {  	p0 =	sne.s32 s23, $0x3800;
	v6 =	vld [tilespmem:s21+$0xFFFFFFD0];
	[tilespmem:v0+s20+$0x0 ss:$0x1] =	vst.idx.msk $0xffff, v1  }
0x2b: {  	v7 =	vld [tilespmem:s21+$0xFFFFFFE0];
	[tilespmem:v0+s20+$0x10 ss:$0x1] =	vst.idx.msk $0xffff, v3  }
0x2c: {  	v8 =	vld [tilespmem:s21+$0xFFFFFFF0];
	[tilespmem:v0+s20+$0x20 ss:$0x1] =	vst.idx.msk $0xffff, v5  }
.Ltmp3:
0x2d: {  	v1 =	vld [tilespmem:s21+$0x0];
	[tilespmem:v0+s20+$0xFFFFFFC0 ss:$0x1] =	vst.idx.msk $0xffff, v2;
	s20 =	sshra.s32 s22, $0x2;
	s22 =	smov.u32 s23;
	(pc) =	sbr.rel @p0 .LBB1_5-.Ltmp3, $4  }
0x2e: {  	v3 =	vld [tilespmem:s21+$0x10];
	[tilespmem:v0+s20+$0x30 ss:$0x1] =	vst.idx.msk $0xffff, v4  }
0x2f: {  	[tilespmem:v0+s20+$0xFFFFFFD0 ss:$0x1] =	vst.idx.msk $0xffff, v6;
	v5 =	vld [tilespmem:s21+$0x20]  }
0x30: {  	v2 =	vld [tilespmem:s21+$0xFFFFFFC0];
	[tilespmem:v0+s20+$0xFFFFFFE0 ss:$0x1] =	vst.idx.msk $0xffff, v7;
	s21 =	sadd.s32 $0x80, s21  }
0x31: {  	s23 =	sadd.s32 $0x800, s23;
	v4 =	vld [tilespmem:s21+$0x30];
	[tilespmem:v0+s20+$0xFFFFFFF0 ss:$0x1] =	vst.idx.msk $0xffff, v8  }
0x32: {  	_ =	sdelay $0x3  }
0x33: {  	v6 =	vld [tilespmem:s21+$0xFFFFFFD0];
	[tilespmem:v0+s20+$0x0 ss:$0x1] =	vst.idx.msk $0xffff, v1  }
0x34: {  	v58 =	vld [tilespmem:s21+$0xFFFFFFE0];
	[tilespmem:v0+s20+$0x10 ss:$0x1] =	vst.idx.msk $0xffff, v3  }
0x35: {  	v59 =	vld [tilespmem:s21+$0xFFFFFFF0];
	[tilespmem:v0+s20+$0x20 ss:$0x1] =	vst.idx.msk $0xffff, v5  }
0x36: {  	s22 =	sshra.s32 s22, $0x2;
	v60 =	vld [tilespmem:s21+$0x0];
	[tilespmem:v0+s20+$0xFFFFFFC0 ss:$0x1] =	vst.idx.msk $0xffff, v2  }
0x37: {  	v61 =	vld [tilespmem:s21+$0x10];
	[tilespmem:v0+s22+$0x30 ss:$0x1] =	vst.idx.msk $0xffff, v4  }
0x38: {  	v62 =	vld [tilespmem:s21+$0x20];
	s19 =	sadd.s32 $0x1, s19;
	[tilespmem:v0+s22+$0xFFFFFFD0 ss:$0x1] =	vst.idx.msk $0xffff, v6  }
0x39: {  	v63 =	vld [tilespmem:s21+$0xFFFFFFC0];
	p0 =	sne.s32 s19, $0x4;
	[tilespmem:v0+s22+$0xFFFFFFE0 ss:$0x1] =	vst.idx.msk $0xffff, v58  }
.Ltmp4:
0x3a: {  	[tilespmem:v0+s22+$0xFFFFFFF0 ss:$0x1] =	vst.idx.msk $0xffff, v59;
	(pc) =	sbr.rel @p0 .LBB1_4-.Ltmp4, $4  }
0x3b: {  	[tilespmem:v0+s22+$0x0 ss:$0x1] =	vst.idx.msk $0xffff, v60  }
0x3c: {  	[tilespmem:v0+s22+$0x10 ss:$0x1] =	vst.idx.msk $0xffff, v61  }
0x3d: {  	[tilespmem:v0+s22+$0x20 ss:$0x1] =	vst.idx.msk $0xffff, v62  }
0x3e: {  	s18 =	sadd.s32 $0x400, s18;
	s17 =	sadd.s32 $0x80, s17;
	[tilespmem:v0+s22+$0xFFFFFFC0 ss:$0x1] =	vst.idx.msk $0xffff, v63  }
0x3f: {  	s16 =	sadd.s32 $0x1, s16  }
0x40: {  	p0 =	sne.s32 s16, $0x4  }
.Ltmp5:
0x41: {  	_ = 	snop;
	(pc) =	sbr.rel @p0 .LBB1_3-.Ltmp5, $2  }
0x42: {  	_ =	sdelay $0x2  }
0x43: {  	s13 =	sadd.s32 $0x1000, s13;
	s14 =	sadd.s32 $0x1000, s14  }
.Ltmp6:
0x44: {  	(pc) =	sbr.rel .LBB1_9-.Ltmp6, $4  }
0x45: {  	_ = 	snop  }
0x46: {  	s12 =	sshll.u32 s12, $0x9  }
0x47: {  	s12 =	sadd.s32 s4, s12  }
0x48: {  	[hbm4b:s12+s8] =	stream.linear.scatter [tilespmem:s15], [sflag:$0x2], $0x4000, $0x38;
	[tilespmem:$0x10000] =	vst v63  }
.LBB1_10:
0x49: {  	_ =	sfence.sel $0x180000  }
0x4a: {  	s2 =	simm.s32 $0x1;
	[bflag:$0x0] =	sbarrier.arrive $0xFFFF  }
0x4b: {  	s31 =	simm.s32 $0x2;
	[sflag:s2] =	ssyncpa.u1 $0x1  }
0x4c: {  	[sflag:s31] =	ssyncpa.u1 $0x1  }
0x4d: {  	p0 =	sne.s32 s0, $0x0;
	_ =	strace $0x90000047  }
0x4e: {  	s0 =	sadd.s32 @!p0 $0x100000, s1;
	[bflag:$0x2] =	sbarrier.arrive $0xFFFF  }
0x4f: {  	[sflag:s0] =	ssyncadd.tile.s32 @!p0 $0x1;
	_ =	shalt  }
.Lfunc_end1:
_tile_overlayer_lowered:
.L_overlay_start_2:
0x50: {  	(tag) =	ssettag $0x2  }
0x51: {  	s0 =	rddreg [dreg:$0x0];
	s2 =	stileid.u32  }
0x52: {  	s1 =	rddreg [dreg:$0x1];
	p0 =	sne.s32 s2, $0x0  }
0x53: {  	s3 =	rddreg [dreg:$0x2];
	[bflag:$0x3] =	sbarrier.arrive $0xFFFF;
	s2 =	simm.s32 @!p0 $0x1C01  }
0x54: {  	[timem:s3], [sflag:s2] =	dma.local @!p0 [hbm:s0], s1  }
0x55: {  	s0 =	simm.s32 @!p0 $0x1  }
0x56: {  	_ =	swait.ge @!p0 [sflag:s0], s1  }
0x57: {  	s1 =	ssub.s32 @!p0 $0x0, s1;
	[sflag:s0] =	ssyncset.done @!p0 $0x0  }
0x58: {  	[sflag:s0] =	ssyncadd.s32 @!p0 s1  }
0x59: {  	[bflag:$0x3] =	sbarrier.arrive $0xFFFF  }
0x5a: {  	_ =	shalt  }

</sc_bundles>
